<compile_context>
chip_gen: v7x
topology: tpu7x:2x2x1
jax: 0.10.2.dev20260603
libtpu: 0.0.44.dev20260713+nightly
codegen_flags: <defaults>
</compile_context>

<pallas_src>
import functools

import jax
import jax.numpy as jnp
from jax import lax
from jax.experimental import pallas as pl
from jax.experimental.pallas import tpu as pltpu
from jax.experimental.pallas import tpu_sc as plsc

N = 10000
E = 320000
ET = E + N
NT = 10240
ACC = 3 * NT
SL = ACC // 16
ECT = 10368
EPAD = 32 * ECT - ET
NBLK = ECT // 128


def _hsd_body(x_ref, w_ref, as_ref, ad_ref, o_ref):
    w = w_ref[...]
    w4 = jnp.concatenate(
        [w,
         jnp.dot(w, as_ref[...], preferred_element_type=jnp.float32),
         jnp.dot(w, ad_ref[...], preferred_element_type=jnp.float32)],
        axis=1)
    o_ref[...] = jnp.dot(x_ref[...], w4, preferred_element_type=jnp.float32)


def _combine_body(part_ref, b2_ref, o_ref):
    den = part_ref[0, 0] + part_ref[1, 0] + 1e-9
    o0 = (part_ref[0, 1] + part_ref[1, 1]) / den + b2_ref[0, 0]
    o1 = (part_ref[0, 2] + part_ref[1, 2]) / den + b2_ref[0, 1]
    m = jnp.maximum(o0, o1)
    z0 = jnp.exp(o0 - m)
    z1 = jnp.exp(o1 - m)
    zs = z0 + z1
    o_ref[0] = z0 / zs
    o_ref[1] = z1 / zs


def _sc_edges(src_hbm, dst_hbm, hsd_hbm, zero_hbm, out_hbm,
              hsd_v, src_v, dst_v, pv, p0v, p1v, i0, i1, i2, shared_v):
    cid = lax.axis_index("c")
    sid = lax.axis_index("s")
    wid = cid * 16 + sid

    pltpu.sync_copy(zero_hbm.at[pl.ds(sid * SL, SL)],
                    shared_v.at[pl.ds(sid * SL, SL)])

    pltpu.sync_copy(hsd_hbm, hsd_v)
    base = wid * ECT
    pltpu.sync_copy(src_hbm.at[pl.ds(base, ECT)], src_v)
    pltpu.sync_copy(dst_hbm.at[pl.ds(base, ECT)], dst_v)

    plsc.subcore_barrier()

    def block_body(j, carry):
        for l in range(8):
            off = j * 128 + l * 16
            src16 = src_v[pl.ds(off, 16)]
            dst16 = dst_v[pl.ds(off, 16)]
            s4 = src16 * 4
            sg = plsc.load_gather(hsd_v, [s4 + 2])
            dg = plsc.load_gather(hsd_v, [dst16 * 4 + 3])
            h0 = plsc.load_gather(hsd_v, [s4])
            h1 = plsc.load_gather(hsd_v, [s4 + 1])
            e = sg + dg
            p = jnp.exp(jnp.maximum(e, 0.2 * e))
            sl = pl.ds(l * 16, 16)
            pv[sl] = p
            p0v[sl] = p * h0
            p1v[sl] = p * h1
            i0[sl] = dst16
            i1[sl] = dst16 + NT
            i2[sl] = dst16 + 2 * NT
        pltpu.sync_copy(pv, shared_v.at[i0], add=True)
        pltpu.sync_copy(p0v, shared_v.at[i1], add=True)
        pltpu.sync_copy(p1v, shared_v.at[i2], add=True)
        return carry

    lax.fori_loop(0, NBLK, block_body, 0)

    plsc.subcore_barrier()
    pltpu.sync_copy(shared_v.at[pl.ds(sid * SL, SL)],
                    out_hbm.at[pl.ds(cid * ACC + sid * SL, SL)])


@functools.cache
def _sc_edge_accum():
    return functools.partial(
        pl.kernel,
        out_type=jax.ShapeDtypeStruct((2 * ACC,), jnp.float32),
        mesh=plsc.VectorSubcoreMesh(core_axis_name="c", subcore_axis_name="s"),
        compiler_params=pltpu.CompilerParams(needs_layout_passes=False,
                                             use_tc_tiling_on_sc=False),
        scratch_types=[
            pltpu.VMEM((4 * N,), jnp.float32),
            pltpu.VMEM((ECT,), jnp.int32),
            pltpu.VMEM((ECT,), jnp.int32),
            pltpu.VMEM((128,), jnp.float32),
            pltpu.VMEM((128,), jnp.float32),
            pltpu.VMEM((128,), jnp.float32),
            pltpu.VMEM((128,), jnp.int32),
            pltpu.VMEM((128,), jnp.int32),
            pltpu.VMEM((128,), jnp.int32),
            pltpu.VMEM_SHARED((ACC,), jnp.float32),
        ],
    )(_sc_edges)


def kernel(x, edge_index, W1, a1_src, a1_dst, b1, W2, a2_src, a2_dst, b2):
    del W1, a1_src, a1_dst, b1
    hsd = pl.pallas_call(
        _hsd_body,
        grid=(10,),
        in_specs=[pl.BlockSpec((1000, 128), lambda i: (i, 0)),
                  pl.BlockSpec((128, 2), lambda i: (0, 0)),
                  pl.BlockSpec((2, 1), lambda i: (0, 0)),
                  pl.BlockSpec((2, 1), lambda i: (0, 0))],
        out_specs=pl.BlockSpec((1000, 4), lambda i: (i, 0)),
        out_shape=jax.ShapeDtypeStruct((N, 4), jnp.float32),
    )(x, W2, a2_src.reshape(2, 1), a2_dst.reshape(2, 1))

    loops = lax.iota(jnp.int32, N)
    src_tail = jnp.concatenate([loops, jnp.zeros((EPAD,), jnp.int32)])
    dst_tail = jnp.concatenate([loops, jnp.full((EPAD,), N, jnp.int32)])
    cat = jnp.concatenate([edge_index, jnp.stack([src_tail, dst_tail])],
                          axis=1)
    src_flat = cat[0]
    dst_flat = cat[1]
    zeros = jnp.zeros((ACC,), jnp.float32)
    part = _sc_edge_accum()(src_flat, dst_flat, hsd.reshape(4 * N), zeros)

    out = pl.pallas_call(
        _combine_body,
        out_shape=jax.ShapeDtypeStruct((2, 80, 128), jnp.float32),
    )(part.reshape(2, 3, 80, 128), b2.reshape(1, 2))
    return out.reshape(2, NT).T[:N]

# --- scband reference (transcript-rebuilt; emitter-appended) ---
"""Pipeline reference for scband-gatlstm-89799176225209 (READ-ONLY COPY).

The authoritative reference and input builder live on the scoring server;
editing this copy changes nothing except your own understanding.
"""

import jax, jax.numpy as jnp
import numpy as np

N = 10000
E = 320000
D = 128
H = 8
C = 8
NOUT = 2


def setup_inputs(seed: int = 0):
    key = jax.random.key(seed)
    ks = jax.random.split(key, 12)
    x = jax.random.normal(ks[0], (N, D), dtype=jnp.float32)
    edge_index = jax.random.randint(ks[1], (2, E), 0, N, dtype=jnp.int32)
    W1 = jax.random.normal(ks[2], (D, H * C), dtype=jnp.float32) * 0.1
    a1_src = jax.random.normal(ks[3], (H, C), dtype=jnp.float32) * 0.1
    a1_dst = jax.random.normal(ks[4], (H, C), dtype=jnp.float32) * 0.1
    b1 = jnp.zeros((H * C,), dtype=jnp.float32)
    W2 = jax.random.normal(ks[5], (D, NOUT), dtype=jnp.float32) * 0.1
    a2_src = jax.random.normal(ks[6], (1, NOUT), dtype=jnp.float32) * 0.1
    a2_dst = jax.random.normal(ks[7], (1, NOUT), dtype=jnp.float32) * 0.1
    b2 = jnp.zeros((NOUT,), dtype=jnp.float32)
    return {"x": x, "edge_index": edge_index, "W1": W1, "a1_src": a1_src, "a1_dst": a1_dst, "b1": b1, "W2": W2, "a2_src": a2_src, "a2_dst": a2_dst, "b2": b2}


def _gat_conv(x, src, dst, W, a_s, a_d, b, heads, ch, concat, act):
    n = x.shape[0]
    h = (x @ W).reshape(n, heads, ch)
    alpha_s = jnp.sum(h * a_s[None, :, :], axis=-1)
    alpha_d = jnp.sum(h * a_d[None, :, :], axis=-1)
    e = jax.nn.leaky_relu(alpha_s[src] + alpha_d[dst], negative_slope=0.2)
    e_max = jax.lax.stop_gradient(jax.ops.segment_max(e, dst, num_segments=n))
    e_exp = jnp.exp(e - e_max[dst])
    denom = jax.ops.segment_sum(e_exp, dst, num_segments=n)
    alpha = e_exp / (denom[dst] + 1e-9)
    out = jax.ops.segment_sum(alpha[:, :, None] * h[src], dst, num_segments=n)
    if concat:
        out = out.reshape(n, heads * ch)
    else:
        out = jnp.mean(out, axis=1)
    return act(out + b)


def reference(x, edge_index, W1, a1_src, a1_dst, b1, W2, a2_src, a2_dst, b2):
    n = x.shape[0]
    loop = jnp.arange(n, dtype=edge_index.dtype)
    src = jnp.concatenate([edge_index[0], loop])
    dst = jnp.concatenate([edge_index[1], loop])
    # faithful to the original call(): each layer is applied to the ORIGINAL
    # inputs inside the loop; only the last layer's output is returned.
    out1 = _gat_conv(x, src, dst, W1, a1_src, a1_dst, b1, H, C, True, jax.nn.relu)
    out = _gat_conv(x, src, dst, W2, a2_src, a2_dst, b2, 1, NOUT, False, lambda t: jax.nn.softmax(t, axis=-1))
    del out1
    return out

if __name__ == "__main__":
    import jax
    _d = setup_inputs()
    print(jax.jit(kernel)(*tuple(_d.values())))

</pallas_src>

<mosaic_0001>
#map = affine_map<(d0, d1) -> (0)>
module attributes {stable_mosaic.version = 14 : i64} {
  func.func @_sc_edges(%arg0: i32, %arg1: i32, %arg2: memref<331776xi32, #tpu.memory_space<hbm>>, %arg3: memref<331776xi32, #tpu.memory_space<hbm>>, %arg4: memref<40000xf32, #tpu.memory_space<hbm>>, %arg5: memref<30720xf32, #tpu.memory_space<hbm>>, %arg6: memref<61440xf32, #tpu.memory_space<hbm>>, %arg7: memref<40000xf32, #tpu.memory_space<vmem>>, %arg8: memref<10368xi32, #tpu.memory_space<vmem>>, %arg9: memref<10368xi32, #tpu.memory_space<vmem>>, %arg10: memref<128xf32, #tpu.memory_space<vmem>>, %arg11: memref<128xf32, #tpu.memory_space<vmem>>, %arg12: memref<128xf32, #tpu.memory_space<vmem>>, %arg13: memref<128xi32, #tpu.memory_space<vmem>>, %arg14: memref<128xi32, #tpu.memory_space<vmem>>, %arg15: memref<128xi32, #tpu.memory_space<vmem>>, %arg16: memref<30720xf32, #tpu.memory_space<vmem_shared>>) attributes {dimension_semantics = [#tpu.dimension_semantics<core_parallel>, #tpu.dimension_semantics<subcore_parallel>], iteration_bounds = array<i64: 2, 16>, scalar_prefetch = 0 : i64, scratch_operands = 10 : i64, tpu.core_type = #tpu.core_type<sc_vector_subcore>, window_params = [{transform_indices = #map}, {transform_indices = #map}, {transform_indices = #map}, {transform_indices = #map}, {transform_indices = #map}]} {
    %mul3A = arith.constant 16 : i32
    %mul3A_0 = arith.muli %arg0, %mul3A : i32
    %add3A = arith.addi %mul3A_0, %arg1 : i32
    %mul3A_1 = arith.constant 1920 : i32
    %mul3A_2 = arith.muli %arg1, %mul3A_1 : i32
    %mul3A_3 = arith.constant 1920 : i32
    %mul3A_4 = arith.muli %arg1, %mul3A_3 : i32
    "tpu.region"() ({
      %run_scoped3A = tpu.sem_alloc : memref<!tpu.dma_semaphore, #tpu.memory_space<semaphore_mem>>
      %dma_start3A = tpu.memref_slice %arg16[%mul3A_4] : memref<30720xf32, #tpu.memory_space<vmem_shared>> -> memref<1920xf32, #tpu.memory_space<vmem_shared>>
      %dma_start3A_20 = tpu.memref_slice %arg5[%mul3A_2] : memref<30720xf32, #tpu.memory_space<hbm>> -> memref<1920xf32, #tpu.memory_space<hbm>>
      tpu.enqueue_dma source(%dma_start3A_20 : memref<1920xf32, #tpu.memory_space<hbm>>) target(%dma_start3A : memref<1920xf32, #tpu.memory_space<vmem_shared>>) target_semaphore(%run_scoped3A : memref<!tpu.dma_semaphore, #tpu.memory_space<semaphore_mem>>)
      %dma_wait3A = tpu.memref_slice %arg16[%mul3A_4] : memref<30720xf32, #tpu.memory_space<vmem_shared>> -> memref<1920xf32, #tpu.memory_space<vmem_shared>>
      %dma_wait3A_21 = tpu.memref_slice %arg5[%mul3A_2] : memref<30720xf32, #tpu.memory_space<hbm>> -> memref<1920xf32, #tpu.memory_space<hbm>>
      tpu.wait_dma2 semaphore(%run_scoped3A : memref<!tpu.dma_semaphore, #tpu.memory_space<semaphore_mem>>) src(%dma_wait3A_21 : memref<1920xf32, #tpu.memory_space<hbm>>) dst(%dma_wait3A : memref<1920xf32, #tpu.memory_space<vmem_shared>>)
      tpu.yield
    }) : () -> ()
    "tpu.region"() ({
      %run_scoped3A = tpu.sem_alloc : memref<!tpu.dma_semaphore, #tpu.memory_space<semaphore_mem>>
      tpu.enqueue_dma source(%arg4 : memref<40000xf32, #tpu.memory_space<hbm>>) target(%arg7 : memref<40000xf32, #tpu.memory_space<vmem>>) target_semaphore(%run_scoped3A : memref<!tpu.dma_semaphore, #tpu.memory_space<semaphore_mem>>)
      tpu.wait_dma2 semaphore(%run_scoped3A : memref<!tpu.dma_semaphore, #tpu.memory_space<semaphore_mem>>) src(%arg4 : memref<40000xf32, #tpu.memory_space<hbm>>) dst(%arg7 : memref<40000xf32, #tpu.memory_space<vmem>>)
      tpu.yield
    }) : () -> ()
    %mul3A_5 = arith.constant 10368 : i32
    %mul3A_6 = arith.muli %add3A, %mul3A_5 : i32
    "tpu.region"() ({
      %run_scoped3A = tpu.sem_alloc : memref<!tpu.dma_semaphore, #tpu.memory_space<semaphore_mem>>
      %dma_start3A = tpu.memref_slice %arg2[%mul3A_6] : memref<331776xi32, #tpu.memory_space<hbm>> -> memref<10368xi32, #tpu.memory_space<hbm>>
      %dma_start3A_20 = tpu.memref_slice %arg2[%mul3A_6] : memref<331776xi32, #tpu.memory_space<hbm>> -> memref<10368xi32, #tpu.memory_space<hbm>>
      tpu.enqueue_dma source(%dma_start3A_20 : memref<10368xi32, #tpu.memory_space<hbm>>) target(%arg8 : memref<10368xi32, #tpu.memory_space<vmem>>) target_semaphore(%run_scoped3A : memref<!tpu.dma_semaphore, #tpu.memory_space<semaphore_mem>>)
      %dma_wait3A = tpu.memref_slice %arg2[%mul3A_6] : memref<331776xi32, #tpu.memory_space<hbm>> -> memref<10368xi32, #tpu.memory_space<hbm>>
      %dma_wait3A_21 = tpu.memref_slice %arg2[%mul3A_6] : memref<331776xi32, #tpu.memory_space<hbm>> -> memref<10368xi32, #tpu.memory_space<hbm>>
      tpu.wait_dma2 semaphore(%run_scoped3A : memref<!tpu.dma_semaphore, #tpu.memory_space<semaphore_mem>>) src(%dma_wait3A_21 : memref<10368xi32, #tpu.memory_space<hbm>>) dst(%arg8 : memref<10368xi32, #tpu.memory_space<vmem>>)
      tpu.yield
    }) : () -> ()
    "tpu.region"() ({
      %run_scoped3A = tpu.sem_alloc : memref<!tpu.dma_semaphore, #tpu.memory_space<semaphore_mem>>
      %dma_start3A = tpu.memref_slice %arg3[%mul3A_6] : memref<331776xi32, #tpu.memory_space<hbm>> -> memref<10368xi32, #tpu.memory_space<hbm>>
      %dma_start3A_20 = tpu.memref_slice %arg3[%mul3A_6] : memref<331776xi32, #tpu.memory_space<hbm>> -> memref<10368xi32, #tpu.memory_space<hbm>>
      tpu.enqueue_dma source(%dma_start3A_20 : memref<10368xi32, #tpu.memory_space<hbm>>) target(%arg9 : memref<10368xi32, #tpu.memory_space<vmem>>) target_semaphore(%run_scoped3A : memref<!tpu.dma_semaphore, #tpu.memory_space<semaphore_mem>>)
      %dma_wait3A = tpu.memref_slice %arg3[%mul3A_6] : memref<331776xi32, #tpu.memory_space<hbm>> -> memref<10368xi32, #tpu.memory_space<hbm>>
      %dma_wait3A_21 = tpu.memref_slice %arg3[%mul3A_6] : memref<331776xi32, #tpu.memory_space<hbm>> -> memref<10368xi32, #tpu.memory_space<hbm>>
      tpu.wait_dma2 semaphore(%run_scoped3A : memref<!tpu.dma_semaphore, #tpu.memory_space<semaphore_mem>>) src(%dma_wait3A_21 : memref<10368xi32, #tpu.memory_space<hbm>>) dst(%arg9 : memref<10368xi32, #tpu.memory_space<vmem>>)
      tpu.yield
    }) : () -> ()
    %barrier3A = arith.constant 0 : index
    tpu.barrier barrier_id(%barrier3A)
    %scan3A = arith.constant 0 : i32
    %scan3A_7 = arith.constant 0 : i32
    %scan3A_8 = arith.constant 81 : i32
    %scan3A_9 = arith.addi %scan3A_7, %scan3A_8 : i32
    %scan3A_10 = arith.constant 1 : i32
    scf.for %scan3A_20 = %scan3A_7 to %scan3A_9 step %scan3A_10  : i32 {
      %mul3A_21 = arith.constant 128 : i32
      %mul3A_22 = arith.muli %scan3A_20, %mul3A_21 : i32
      %add3A_23 = arith.constant 0 : i32
      %add3A_24 = arith.addi %mul3A_22, %add3A_23 : i32
      %get3A = arith.index_cast %add3A_24 : i32 to index
      %get3A_25 = tpu.vector_load %arg8[%get3A] {strides = array<i32>} : memref<10368xi32, #tpu.memory_space<vmem>>, vector<16xi32>,
      %get3A_26 = arith.index_cast %add3A_24 : i32 to index
      %get3A_27 = tpu.vector_load %arg9[%get3A_26] {strides = array<i32>} : memref<10368xi32, #tpu.memory_space<vmem>>, vector<16xi32>,
      %mul3A_28 = arith.constant 4 : i32
      %mul3A_29 = vector.broadcast %mul3A_28 : i32 to vector<16xi32>
      %mul3A_30 = arith.muli %get3A_25, %mul3A_29 : vector<16xi32>
      %add3A_31 = arith.constant 2 : i32
      %add3A_32 = vector.broadcast %add3A_31 : i32 to vector<16xi32>
      %add3A_33 = arith.addi %mul3A_30, %add3A_32 : vector<16xi32>
      %gather3A = tpu.vector_load_idx %arg7[%add3A_33] : memref<40000xf32, #tpu.memory_space<vmem>>[vector<16xi32>], vector<16xf32>,
      %mul3A_34 = arith.constant 4 : i32
      %mul3A_35 = vector.broadcast %mul3A_34 : i32 to vector<16xi32>
      %mul3A_36 = arith.muli %get3A_27, %mul3A_35 : vector<16xi32>
      %add3A_37 = arith.constant 3 : i32
      %add3A_38 = vector.broadcast %add3A_37 : i32 to vector<16xi32>
      %add3A_39 = arith.addi %mul3A_36, %add3A_38 : vector<16xi32>
      %gather3A_40 = tpu.vector_load_idx %arg7[%add3A_39] : memref<40000xf32, #tpu.memory_space<vmem>>[vector<16xi32>], vector<16xf32>,
      %gather3A_41 = tpu.vector_load_idx %arg7[%mul3A_30] : memref<40000xf32, #tpu.memory_space<vmem>>[vector<16xi32>], vector<16xf32>,
      %add3A_42 = arith.constant 1 : i32
      %add3A_43 = vector.broadcast %add3A_42 : i32 to vector<16xi32>
      %add3A_44 = arith.addi %mul3A_30, %add3A_43 : vector<16xi32>
      %gather3A_45 = tpu.vector_load_idx %arg7[%add3A_44] : memref<40000xf32, #tpu.memory_space<vmem>>[vector<16xi32>], vector<16xf32>,
      %add3A_46 = arith.addf %gather3A, %gather3A_40 : vector<16xf32>
      %mul3A_47 = arith.constant 2.000000e-01 : f32
      %mul3A_48 = vector.broadcast %mul3A_47 : f32 to vector<16xf32>
      %mul3A_49 = arith.mulf %mul3A_48, %add3A_46 : vector<16xf32>
      %max3A = arith.maximumf %add3A_46, %mul3A_49 : vector<16xf32>
      %exp3A = math.exp %max3A : vector<16xf32>
      %swap3A = arith.constant 0 : index
      %swap3A_50 = tpu.vector_load %arg10[%swap3A] {strides = array<i32>} : memref<128xf32, #tpu.memory_space<vmem>>, vector<16xf32>,
      tpu.vector_store %arg10[%swap3A], %exp3A {strides = array<i32>} : memref<128xf32, #tpu.memory_space<vmem>>, vector<16xf32>,
      %mul3A_51 = arith.mulf %exp3A, %gather3A_41 : vector<16xf32>
      %swap3A_52 = arith.constant 0 : index
      %swap3A_53 = tpu.vector_load %arg11[%swap3A_52] {strides = array<i32>} : memref<128xf32, #tpu.memory_space<vmem>>, vector<16xf32>,
      tpu.vector_store %arg11[%swap3A_52], %mul3A_51 {strides = array<i32>} : memref<128xf32, #tpu.memory_space<vmem>>, vector<16xf32>,
      %mul3A_54 = arith.mulf %exp3A, %gather3A_45 : vector<16xf32>
      %swap3A_55 = arith.constant 0 : index
      %swap3A_56 = tpu.vector_load %arg12[%swap3A_55] {strides = array<i32>} : memref<128xf32, #tpu.memory_space<vmem>>, vector<16xf32>,
      tpu.vector_store %arg12[%swap3A_55], %mul3A_54 {strides = array<i32>} : memref<128xf32, #tpu.memory_space<vmem>>, vector<16xf32>,
      %swap3A_57 = arith.constant 0 : index
      %swap3A_58 = tpu.vector_load %arg13[%swap3A_57] {strides = array<i32>} : memref<128xi32, #tpu.memory_space<vmem>>, vector<16xi32>,
      tpu.vector_store %arg13[%swap3A_57], %get3A_27 {strides = array<i32>} : memref<128xi32, #tpu.memory_space<vmem>>, vector<16xi32>,
      %add3A_59 = arith.constant 10240 : i32
      %add3A_60 = vector.broadcast %add3A_59 : i32 to vector<16xi32>
      %add3A_61 = arith.addi %get3A_27, %add3A_60 : vector<16xi32>
      %swap3A_62 = arith.constant 0 : index
      %swap3A_63 = tpu.vector_load %arg14[%swap3A_62] {strides = array<i32>} : memref<128xi32, #tpu.memory_space<vmem>>, vector<16xi32>,
      tpu.vector_store %arg14[%swap3A_62], %add3A_61 {strides = array<i32>} : memref<128xi32, #tpu.memory_space<vmem>>, vector<16xi32>,
      %add3A_64 = arith.constant 20480 : i32
      %add3A_65 = vector.broadcast %add3A_64 : i32 to vector<16xi32>
      %add3A_66 = arith.addi %get3A_27, %add3A_65 : vector<16xi32>
      %swap3A_67 = arith.constant 0 : index
      %swap3A_68 = tpu.vector_load %arg15[%swap3A_67] {strides = array<i32>} : memref<128xi32, #tpu.memory_space<vmem>>, vector<16xi32>,
      tpu.vector_store %arg15[%swap3A_67], %add3A_66 {strides = array<i32>} : memref<128xi32, #tpu.memory_space<vmem>>, vector<16xi32>,
      %mul3A_69 = arith.constant 128 : i32
      %mul3A_70 = arith.muli %scan3A_20, %mul3A_69 : i32
      %add3A_71 = arith.constant 16 : i32
      %add3A_72 = arith.addi %mul3A_70, %add3A_71 : i32
      %get3A_73 = arith.index_cast %add3A_72 : i32 to index
      %get3A_74 = tpu.vector_load %arg8[%get3A_73] {strides = array<i32>} : memref<10368xi32, #tpu.memory_space<vmem>>, vector<16xi32>,
      %get3A_75 = arith.index_cast %add3A_72 : i32 to index
      %get3A_76 = tpu.vector_load %arg9[%get3A_75] {strides = array<i32>} : memref<10368xi32, #tpu.memory_space<vmem>>, vector<16xi32>,
      %mul3A_77 = arith.constant 4 : i32
      %mul3A_78 = vector.broadcast %mul3A_77 : i32 to vector<16xi32>
      %mul3A_79 = arith.muli %get3A_74, %mul3A_78 : vector<16xi32>
      %add3A_80 = arith.constant 2 : i32
      %add3A_81 = vector.broadcast %add3A_80 : i32 to vector<16xi32>
      %add3A_82 = arith.addi %mul3A_79, %add3A_81 : vector<16xi32>
      %gather3A_83 = tpu.vector_load_idx %arg7[%add3A_82] : memref<40000xf32, #tpu.memory_space<vmem>>[vector<16xi32>], vector<16xf32>,
      %mul3A_84 = arith.constant 4 : i32
      %mul3A_85 = vector.broadcast %mul3A_84 : i32 to vector<16xi32>
      %mul3A_86 = arith.muli %get3A_76, %mul3A_85 : vector<16xi32>
      %add3A_87 = arith.constant 3 : i32
      %add3A_88 = vector.broadcast %add3A_87 : i32 to vector<16xi32>
      %add3A_89 = arith.addi %mul3A_86, %add3A_88 : vector<16xi32>
      %gather3A_90 = tpu.vector_load_idx %arg7[%add3A_89] : memref<40000xf32, #tpu.memory_space<vmem>>[vector<16xi32>], vector<16xf32>,
      %gather3A_91 = tpu.vector_load_idx %arg7[%mul3A_79] : memref<40000xf32, #tpu.memory_space<vmem>>[vector<16xi32>], vector<16xf32>,
      %add3A_92 = arith.constant 1 : i32
      %add3A_93 = vector.broadcast %add3A_92 : i32 to vector<16xi32>
      %add3A_94 = arith.addi %mul3A_79, %add3A_93 : vector<16xi32>
      %gather3A_95 = tpu.vector_load_idx %arg7[%add3A_94] : memref<40000xf32, #tpu.memory_space<vmem>>[vector<16xi32>], vector<16xf32>,
      %add3A_96 = arith.addf %gather3A_83, %gather3A_90 : vector<16xf32>
      %mul3A_97 = arith.constant 2.000000e-01 : f32
      %mul3A_98 = vector.broadcast %mul3A_97 : f32 to vector<16xf32>
      %mul3A_99 = arith.mulf %mul3A_98, %add3A_96 : vector<16xf32>
      %max3A_100 = arith.maximumf %add3A_96, %mul3A_99 : vector<16xf32>
      %exp3A_101 = math.exp %max3A_100 : vector<16xf32>
      %swap3A_102 = arith.constant 16 : index
      %swap3A_103 = tpu.vector_load %arg10[%swap3A_102] {strides = array<i32>} : memref<128xf32, #tpu.memory_space<vmem>>, vector<16xf32>,
      tpu.vector_store %arg10[%swap3A_102], %exp3A_101 {strides = array<i32>} : memref<128xf32, #tpu.memory_space<vmem>>, vector<16xf32>,
      %mul3A_104 = arith.mulf %exp3A_101, %gather3A_91 : vector<16xf32>
      %swap3A_105 = arith.constant 16 : index
      %swap3A_106 = tpu.vector_load %arg11[%swap3A_105] {strides = array<i32>} : memref<128xf32, #tpu.memory_space<vmem>>, vector<16xf32>,
      tpu.vector_store %arg11[%swap3A_105], %mul3A_104 {strides = array<i32>} : memref<128xf32, #tpu.memory_space<vmem>>, vector<16xf32>,
      %mul3A_107 = arith.mulf %exp3A_101, %gather3A_95 : vector<16xf32>
      %swap3A_108 = arith.constant 16 : index
      %swap3A_109 = tpu.vector_load %arg12[%swap3A_108] {strides = array<i32>} : memref<128xf32, #tpu.memory_space<vmem>>, vector<16xf32>,
      tpu.vector_store %arg12[%swap3A_108], %mul3A_107 {strides = array<i32>} : memref<128xf32, #tpu.memory_space<vmem>>, vector<16xf32>,
      %swap3A_110 = arith.constant 16 : index
      %swap3A_111 = tpu.vector_load %arg13[%swap3A_110] {strides = array<i32>} : memref<128xi32, #tpu.memory_space<vmem>>, vector<16xi32>,
      tpu.vector_store %arg13[%swap3A_110], %get3A_76 {strides = array<i32>} : memref<128xi32, #tpu.memory_space<vmem>>, vector<16xi32>,
      %add3A_112 = arith.constant 10240 : i32
      %add3A_113 = vector.broadcast %add3A_112 : i32 to vector<16xi32>
      %add3A_114 = arith.addi %get3A_76, %add3A_113 : vector<16xi32>
      %swap3A_115 = arith.constant 16 : index
      %swap3A_116 = tpu.vector_load %arg14[%swap3A_115] {strides = array<i32>} : memref<128xi32, #tpu.memory_space<vmem>>, vector<16xi32>,
      tpu.vector_store %arg14[%swap3A_115], %add3A_114 {strides = array<i32>} : memref<128xi32, #tpu.memory_space<vmem>>, vector<16xi32>,
      %add3A_117 = arith.constant 20480 : i32
      %add3A_118 = vector.broadcast %add3A_117 : i32 to vector<16xi32>
      %add3A_119 = arith.addi %get3A_76, %add3A_118 : vector<16xi32>
      %swap3A_120 = arith.constant 16 : index
      %swap3A_121 = tpu.vector_load %arg15[%swap3A_120] {strides = array<i32>} : memref<128xi32, #tpu.memory_space<vmem>>, vector<16xi32>,
      tpu.vector_store %arg15[%swap3A_120], %add3A_119 {strides = array<i32>} : memref<128xi32, #tpu.memory_space<vmem>>, vector<16xi32>,
      %mul3A_122 = arith.constant 128 : i32
      %mul3A_123 = arith.muli %scan3A_20, %mul3A_122 : i32
      %add3A_124 = arith.constant 32 : i32
      %add3A_125 = arith.addi %mul3A_123, %add3A_124 : i32
      %get3A_126 = arith.index_cast %add3A_125 : i32 to index
      %get3A_127 = tpu.vector_load %arg8[%get3A_126] {strides = array<i32>} : memref<10368xi32, #tpu.memory_space<vmem>>, vector<16xi32>,
      %get3A_128 = arith.index_cast %add3A_125 : i32 to index
      %get3A_129 = tpu.vector_load %arg9[%get3A_128] {strides = array<i32>} : memref<10368xi32, #tpu.memory_space<vmem>>, vector<16xi32>,
      %mul3A_130 = arith.constant 4 : i32
      %mul3A_131 = vector.broadcast %mul3A_130 : i32 to vector<16xi32>
      %mul3A_132 = arith.muli %get3A_127, %mul3A_131 : vector<16xi32>
      %add3A_133 = arith.constant 2 : i32
      %add3A_134 = vector.broadcast %add3A_133 : i32 to vector<16xi32>
      %add3A_135 = arith.addi %mul3A_132, %add3A_134 : vector<16xi32>
      %gather3A_136 = tpu.vector_load_idx %arg7[%add3A_135] : memref<40000xf32, #tpu.memory_space<vmem>>[vector<16xi32>], vector<16xf32>,
      %mul3A_137 = arith.constant 4 : i32
      %mul3A_138 = vector.broadcast %mul3A_137 : i32 to vector<16xi32>
      %mul3A_139 = arith.muli %get3A_129, %mul3A_138 : vector<16xi32>
      %add3A_140 = arith.constant 3 : i32
      %add3A_141 = vector.broadcast %add3A_140 : i32 to vector<16xi32>
      %add3A_142 = arith.addi %mul3A_139, %add3A_141 : vector<16xi32>
      %gather3A_143 = tpu.vector_load_idx %arg7[%add3A_142] : memref<40000xf32, #tpu.memory_space<vmem>>[vector<16xi32>], vector<16xf32>,
      %gather3A_144 = tpu.vector_load_idx %arg7[%mul3A_132] : memref<40000xf32, #tpu.memory_space<vmem>>[vector<16xi32>], vector<16xf32>,
      %add3A_145 = arith.constant 1 : i32
      %add3A_146 = vector.broadcast %add3A_145 : i32 to vector<16xi32>
      %add3A_147 = arith.addi %mul3A_132, %add3A_146 : vector<16xi32>
      %gather3A_148 = tpu.vector_load_idx %arg7[%add3A_147] : memref<40000xf32, #tpu.memory_space<vmem>>[vector<16xi32>], vector<16xf32>,
      %add3A_149 = arith.addf %gather3A_136, %gather3A_143 : vector<16xf32>
      %mul3A_150 = arith.constant 2.000000e-01 : f32
      %mul3A_151 = vector.broadcast %mul3A_150 : f32 to vector<16xf32>
      %mul3A_152 = arith.mulf %mul3A_151, %add3A_149 : vector<16xf32>
      %max3A_153 = arith.maximumf %add3A_149, %mul3A_152 : vector<16xf32>
      %exp3A_154 = math.exp %max3A_153 : vector<16xf32>
      %swap3A_155 = arith.constant 32 : index
      %swap3A_156 = tpu.vector_load %arg10[%swap3A_155] {strides = array<i32>} : memref<128xf32, #tpu.memory_space<vmem>>, vector<16xf32>,
      tpu.vector_store %arg10[%swap3A_155], %exp3A_154 {strides = array<i32>} : memref<128xf32, #tpu.memory_space<vmem>>, vector<16xf32>,
      %mul3A_157 = arith.mulf %exp3A_154, %gather3A_144 : vector<16xf32>
      %swap3A_158 = arith.constant 32 : index
      %swap3A_159 = tpu.vector_load %arg11[%swap3A_158] {strides = array<i32>} : memref<128xf32, #tpu.memory_space<vmem>>, vector<16xf32>,
      tpu.vector_store %arg11[%swap3A_158], %mul3A_157 {strides = array<i32>} : memref<128xf32, #tpu.memory_space<vmem>>, vector<16xf32>,
      %mul3A_160 = arith.mulf %exp3A_154, %gather3A_148 : vector<16xf32>
      %swap3A_161 = arith.constant 32 : index
      %swap3A_162 = tpu.vector_load %arg12[%swap3A_161] {strides = array<i32>} : memref<128xf32, #tpu.memory_space<vmem>>, vector<16xf32>,
      tpu.vector_store %arg12[%swap3A_161], %mul3A_160 {strides = array<i32>} : memref<128xf32, #tpu.memory_space<vmem>>, vector<16xf32>,
      %swap3A_163 = arith.constant 32 : index
      %swap3A_164 = tpu.vector_load %arg13[%swap3A_163] {strides = array<i32>} : memref<128xi32, #tpu.memory_space<vmem>>, vector<16xi32>,
      tpu.vector_store %arg13[%swap3A_163], %get3A_129 {strides = array<i32>} : memref<128xi32, #tpu.memory_space<vmem>>, vector<16xi32>,
      %add3A_165 = arith.constant 10240 : i32
      %add3A_166 = vector.broadcast %add3A_165 : i32 to vector<16xi32>
      %add3A_167 = arith.addi %get3A_129, %add3A_166 : vector<16xi32>
      %swap3A_168 = arith.constant 32 : index
      %swap3A_169 = tpu.vector_load %arg14[%swap3A_168] {strides = array<i32>} : memref<128xi32, #tpu.memory_space<vmem>>, vector<16xi32>,
      tpu.vector_store %arg14[%swap3A_168], %add3A_167 {strides = array<i32>} : memref<128xi32, #tpu.memory_space<vmem>>, vector<16xi32>,
      %add3A_170 = arith.constant 20480 : i32
      %add3A_171 = vector.broadcast %add3A_170 : i32 to vector<16xi32>
      %add3A_172 = arith.addi %get3A_129, %add3A_171 : vector<16xi32>
      %swap3A_173 = arith.constant 32 : index
      %swap3A_174 = tpu.vector_load %arg15[%swap3A_173] {strides = array<i32>} : memref<128xi32, #tpu.memory_space<vmem>>, vector<16xi32>,
      tpu.vector_store %arg15[%swap3A_173], %add3A_172 {strides = array<i32>} : memref<128xi32, #tpu.memory_space<vmem>>, vector<16xi32>,
      %mul3A_175 = arith.constant 128 : i32
      %mul3A_176 = arith.muli %scan3A_20, %mul3A_175 : i32
      %add3A_177 = arith.constant 48 : i32
      %add3A_178 = arith.addi %mul3A_176, %add3A_177 : i32
      %get3A_179 = arith.index_cast %add3A_178 : i32 to index
      %get3A_180 = tpu.vector_load %arg8[%get3A_179] {strides = array<i32>} : memref<10368xi32, #tpu.memory_space<vmem>>, vector<16xi32>,
      %get3A_181 = arith.index_cast %add3A_178 : i32 to index
      %get3A_182 = tpu.vector_load %arg9[%get3A_181] {strides = array<i32>} : memref<10368xi32, #tpu.memory_space<vmem>>, vector<16xi32>,
      %mul3A_183 = arith.constant 4 : i32
      %mul3A_184 = vector.broadcast %mul3A_183 : i32 to vector<16xi32>
      %mul3A_185 = arith.muli %get3A_180, %mul3A_184 : vector<16xi32>
      %add3A_186 = arith.constant 2 : i32
      %add3A_187 = vector.broadcast %add3A_186 : i32 to vector<16xi32>
      %add3A_188 = arith.addi %mul3A_185, %add3A_187 : vector<16xi32>
      %gather3A_189 = tpu.vector_load_idx %arg7[%add3A_188] : memref<40000xf32, #tpu.memory_space<vmem>>[vector<16xi32>], vector<16xf32>,
      %mul3A_190 = arith.constant 4 : i32
      %mul3A_191 = vector.broadcast %mul3A_190 : i32 to vector<16xi32>
      %mul3A_192 = arith.muli %get3A_182, %mul3A_191 : vector<16xi32>
      %add3A_193 = arith.constant 3 : i32
      %add3A_194 = vector.broadcast %add3A_193 : i32 to vector<16xi32>
      %add3A_195 = arith.addi %mul3A_192, %add3A_194 : vector<16xi32>
      %gather3A_196 = tpu.vector_load_idx %arg7[%add3A_195] : memref<40000xf32, #tpu.memory_space<vmem>>[vector<16xi32>], vector<16xf32>,
      %gather3A_197 = tpu.vector_load_idx %arg7[%mul3A_185] : memref<40000xf32, #tpu.memory_space<vmem>>[vector<16xi32>], vector<16xf32>,
      %add3A_198 = arith.constant 1 : i32
      %add3A_199 = vector.broadcast %add3A_198 : i32 to vector<16xi32>
      %add3A_200 = arith.addi %mul3A_185, %add3A_199 : vector<16xi32>
      %gather3A_201 = tpu.vector_load_idx %arg7[%add3A_200] : memref<40000xf32, #tpu.memory_space<vmem>>[vector<16xi32>], vector<16xf32>,
      %add3A_202 = arith.addf %gather3A_189, %gather3A_196 : vector<16xf32>
      %mul3A_203 = arith.constant 2.000000e-01 : f32
      %mul3A_204 = vector.broadcast %mul3A_203 : f32 to vector<16xf32>
      %mul3A_205 = arith.mulf %mul3A_204, %add3A_202 : vector<16xf32>
      %max3A_206 = arith.maximumf %add3A_202, %mul3A_205 : vector<16xf32>
      %exp3A_207 = math.exp %max3A_206 : vector<16xf32>
      %swap3A_208 = arith.constant 48 : index
      %swap3A_209 = tpu.vector_load %arg10[%swap3A_208] {strides = array<i32>} : memref<128xf32, #tpu.memory_space<vmem>>, vector<16xf32>,
      tpu.vector_store %arg10[%swap3A_208], %exp3A_207 {strides = array<i32>} : memref<128xf32, #tpu.memory_space<vmem>>, vector<16xf32>,
      %mul3A_210 = arith.mulf %exp3A_207, %gather3A_197 : vector<16xf32>
      %swap3A_211 = arith.constant 48 : index
      %swap3A_212 = tpu.vector_load %arg11[%swap3A_211] {strides = array<i32>} : memref<128xf32, #tpu.memory_space<vmem>>, vector<16xf32>,
      tpu.vector_store %arg11[%swap3A_211], %mul3A_210 {strides = array<i32>} : memref<128xf32, #tpu.memory_space<vmem>>, vector<16xf32>,
      %mul3A_213 = arith.mulf %exp3A_207, %gather3A_201 : vector<16xf32>
      %swap3A_214 = arith.constant 48 : index
      %swap3A_215 = tpu.vector_load %arg12[%swap3A_214] {strides = array<i32>} : memref<128xf32, #tpu.memory_space<vmem>>, vector<16xf32>,
      tpu.vector_store %arg12[%swap3A_214], %mul3A_213 {strides = array<i32>} : memref<128xf32, #tpu.memory_space<vmem>>, vector<16xf32>,
      %swap3A_216 = arith.constant 48 : index
      %swap3A_217 = tpu.vector_load %arg13[%swap3A_216] {strides = array<i32>} : memref<128xi32, #tpu.memory_space<vmem>>, vector<16xi32>,
      tpu.vector_store %arg13[%swap3A_216], %get3A_182 {strides = array<i32>} : memref<128xi32, #tpu.memory_space<vmem>>, vector<16xi32>,
      %add3A_218 = arith.constant 10240 : i32
      %add3A_219 = vector.broadcast %add3A_218 : i32 to vector<16xi32>
      %add3A_220 = arith.addi %get3A_182, %add3A_219 : vector<16xi32>
      %swap3A_221 = arith.constant 48 : index
      %swap3A_222 = tpu.vector_load %arg14[%swap3A_221] {strides = array<i32>} : memref<128xi32, #tpu.memory_space<vmem>>, vector<16xi32>,
      tpu.vector_store %arg14[%swap3A_221], %add3A_220 {strides = array<i32>} : memref<128xi32, #tpu.memory_space<vmem>>, vector<16xi32>,
      %add3A_223 = arith.constant 20480 : i32
      %add3A_224 = vector.broadcast %add3A_223 : i32 to vector<16xi32>
      %add3A_225 = arith.addi %get3A_182, %add3A_224 : vector<16xi32>
      %swap3A_226 = arith.constant 48 : index
      %swap3A_227 = tpu.vector_load %arg15[%swap3A_226] {strides = array<i32>} : memref<128xi32, #tpu.memory_space<vmem>>, vector<16xi32>,
      tpu.vector_store %arg15[%swap3A_226], %add3A_225 {strides = array<i32>} : memref<128xi32, #tpu.memory_space<vmem>>, vector<16xi32>,
      %mul3A_228 = arith.constant 128 : i32
      %mul3A_229 = arith.muli %scan3A_20, %mul3A_228 : i32
      %add3A_230 = arith.constant 64 : i32
      %add3A_231 = arith.addi %mul3A_229, %add3A_230 : i32
      %get3A_232 = arith.index_cast %add3A_231 : i32 to index
      %get3A_233 = tpu.vector_load %arg8[%get3A_232] {strides = array<i32>} : memref<10368xi32, #tpu.memory_space<vmem>>, vector<16xi32>,
      %get3A_234 = arith.index_cast %add3A_231 : i32 to index
      %get3A_235 = tpu.vector_load %arg9[%get3A_234] {strides = array<i32>} : memref<10368xi32, #tpu.memory_space<vmem>>, vector<16xi32>,
      %mul3A_236 = arith.constant 4 : i32
      %mul3A_237 = vector.broadcast %mul3A_236 : i32 to vector<16xi32>
      %mul3A_238 = arith.muli %get3A_233, %mul3A_237 : vector<16xi32>
      %add3A_239 = arith.constant 2 : i32
      %add3A_240 = vector.broadcast %add3A_239 : i32 to vector<16xi32>
      %add3A_241 = arith.addi %mul3A_238, %add3A_240 : vector<16xi32>
      %gather3A_242 = tpu.vector_load_idx %arg7[%add3A_241] : memref<40000xf32, #tpu.memory_space<vmem>>[vector<16xi32>], vector<16xf32>,
      %mul3A_243 = arith.constant 4 : i32
      %mul3A_244 = vector.broadcast %mul3A_243 : i32 to vector<16xi32>
      %mul3A_245 = arith.muli %get3A_235, %mul3A_244 : vector<16xi32>
      %add3A_246 = arith.constant 3 : i32
      %add3A_247 = vector.broadcast %add3A_246 : i32 to vector<16xi32>
      %add3A_248 = arith.addi %mul3A_245, %add3A_247 : vector<16xi32>
      %gather3A_249 = tpu.vector_load_idx %arg7[%add3A_248] : memref<40000xf32, #tpu.memory_space<vmem>>[vector<16xi32>], vector<16xf32>,
      %gather3A_250 = tpu.vector_load_idx %arg7[%mul3A_238] : memref<40000xf32, #tpu.memory_space<vmem>>[vector<16xi32>], vector<16xf32>,
      %add3A_251 = arith.constant 1 : i32
      %add3A_252 = vector.broadcast %add3A_251 : i32 to vector<16xi32>
      %add3A_253 = arith.addi %mul3A_238, %add3A_252 : vector<16xi32>
      %gather3A_254 = tpu.vector_load_idx %arg7[%add3A_253] : memref<40000xf32, #tpu.memory_space<vmem>>[vector<16xi32>], vector<16xf32>,
      %add3A_255 = arith.addf %gather3A_242, %gather3A_249 : vector<16xf32>
      %mul3A_256 = arith.constant 2.000000e-01 : f32
      %mul3A_257 = vector.broadcast %mul3A_256 : f32 to vector<16xf32>
      %mul3A_258 = arith.mulf %mul3A_257, %add3A_255 : vector<16xf32>
      %max3A_259 = arith.maximumf %add3A_255, %mul3A_258 : vector<16xf32>
      %exp3A_260 = math.exp %max3A_259 : vector<16xf32>
      %swap3A_261 = arith.constant 64 : index
      %swap3A_262 = tpu.vector_load %arg10[%swap3A_261] {strides = array<i32>} : memref<128xf32, #tpu.memory_space<vmem>>, vector<16xf32>,
      tpu.vector_store %arg10[%swap3A_261], %exp3A_260 {strides = array<i32>} : memref<128xf32, #tpu.memory_space<vmem>>, vector<16xf32>,
      %mul3A_263 = arith.mulf %exp3A_260, %gather3A_250 : vector<16xf32>
      %swap3A_264 = arith.constant 64 : index
      %swap3A_265 = tpu.vector_load %arg11[%swap3A_264] {strides = array<i32>} : memref<128xf32, #tpu.memory_space<vmem>>, vector<16xf32>,
      tpu.vector_store %arg11[%swap3A_264], %mul3A_263 {strides = array<i32>} : memref<128xf32, #tpu.memory_space<vmem>>, vector<16xf32>,
      %mul3A_266 = arith.mulf %exp3A_260, %gather3A_254 : vector<16xf32>
      %swap3A_267 = arith.constant 64 : index
      %swap3A_268 = tpu.vector_load %arg12[%swap3A_267] {strides = array<i32>} : memref<128xf32, #tpu.memory_space<vmem>>, vector<16xf32>,
      tpu.vector_store %arg12[%swap3A_267], %mul3A_266 {strides = array<i32>} : memref<128xf32, #tpu.memory_space<vmem>>, vector<16xf32>,
      %swap3A_269 = arith.constant 64 : index
      %swap3A_270 = tpu.vector_load %arg13[%swap3A_269] {strides = array<i32>} : memref<128xi32, #tpu.memory_space<vmem>>, vector<16xi32>,
      tpu.vector_store %arg13[%swap3A_269], %get3A_235 {strides = array<i32>} : memref<128xi32, #tpu.memory_space<vmem>>, vector<16xi32>,
      %add3A_271 = arith.constant 10240 : i32
      %add3A_272 = vector.broadcast %add3A_271 : i32 to vector<16xi32>
      %add3A_273 = arith.addi %get3A_235, %add3A_272 : vector<16xi32>
      %swap3A_274 = arith.constant 64 : index
      %swap3A_275 = tpu.vector_load %arg14[%swap3A_274] {strides = array<i32>} : memref<128xi32, #tpu.memory_space<vmem>>, vector<16xi32>,
      tpu.vector_store %arg14[%swap3A_274], %add3A_273 {strides = array<i32>} : memref<128xi32, #tpu.memory_space<vmem>>, vector<16xi32>,
      %add3A_276 = arith.constant 20480 : i32
      %add3A_277 = vector.broadcast %add3A_276 : i32 to vector<16xi32>
      %add3A_278 = arith.addi %get3A_235, %add3A_277 : vector<16xi32>
      %swap3A_279 = arith.constant 64 : index
      %swap3A_280 = tpu.vector_load %arg15[%swap3A_279] {strides = array<i32>} : memref<128xi32, #tpu.memory_space<vmem>>, vector<16xi32>,
      tpu.vector_store %arg15[%swap3A_279], %add3A_278 {strides = array<i32>} : memref<128xi32, #tpu.memory_space<vmem>>, vector<16xi32>,
      %mul3A_281 = arith.constant 128 : i32
      %mul3A_282 = arith.muli %scan3A_20, %mul3A_281 : i32
      %add3A_283 = arith.constant 80 : i32
      %add3A_284 = arith.addi %mul3A_282, %add3A_283 : i32
      %get3A_285 = arith.index_cast %add3A_284 : i32 to index
      %get3A_286 = tpu.vector_load %arg8[%get3A_285] {strides = array<i32>} : memref<10368xi32, #tpu.memory_space<vmem>>, vector<16xi32>,
      %get3A_287 = arith.index_cast %add3A_284 : i32 to index
      %get3A_288 = tpu.vector_load %arg9[%get3A_287] {strides = array<i32>} : memref<10368xi32, #tpu.memory_space<vmem>>, vector<16xi32>,
      %mul3A_289 = arith.constant 4 : i32
      %mul3A_290 = vector.broadcast %mul3A_289 : i32 to vector<16xi32>
      %mul3A_291 = arith.muli %get3A_286, %mul3A_290 : vector<16xi32>
      %add3A_292 = arith.constant 2 : i32
      %add3A_293 = vector.broadcast %add3A_292 : i32 to vector<16xi32>
      %add3A_294 = arith.addi %mul3A_291, %add3A_293 : vector<16xi32>
      %gather3A_295 = tpu.vector_load_idx %arg7[%add3A_294] : memref<40000xf32, #tpu.memory_space<vmem>>[vector<16xi32>], vector<16xf32>,
      %mul3A_296 = arith.constant 4 : i32
      %mul3A_297 = vector.broadcast %mul3A_296 : i32 to vector<16xi32>
      %mul3A_298 = arith.muli %get3A_288, %mul3A_297 : vector<16xi32>
      %add3A_299 = arith.constant 3 : i32
      %add3A_300 = vector.broadcast %add3A_299 : i32 to vector<16xi32>
      %add3A_301 = arith.addi %mul3A_298, %add3A_300 : vector<16xi32>
      %gather3A_302 = tpu.vector_load_idx %arg7[%add3A_301] : memref<40000xf32, #tpu.memory_space<vmem>>[vector<16xi32>], vector<16xf32>,
      %gather3A_303 = tpu.vector_load_idx %arg7[%mul3A_291] : memref<40000xf32, #tpu.memory_space<vmem>>[vector<16xi32>], vector<16xf32>,
      %add3A_304 = arith.constant 1 : i32
      %add3A_305 = vector.broadcast %add3A_304 : i32 to vector<16xi32>
      %add3A_306 = arith.addi %mul3A_291, %add3A_305 : vector<16xi32>
      %gather3A_307 = tpu.vector_load_idx %arg7[%add3A_306] : memref<40000xf32, #tpu.memory_space<vmem>>[vector<16xi32>], vector<16xf32>,
      %add3A_308 = arith.addf %gather3A_295, %gather3A_302 : vector<16xf32>
      %mul3A_309 = arith.constant 2.000000e-01 : f32
      %mul3A_310 = vector.broadcast %mul3A_309 : f32 to vector<16xf32>
      %mul3A_311 = arith.mulf %mul3A_310, %add3A_308 : vector<16xf32>
      %max3A_312 = arith.maximumf %add3A_308, %mul3A_311 : vector<16xf32>
      %exp3A_313 = math.exp %max3A_312 : vector<16xf32>
      %swap3A_314 = arith.constant 80 : index
      %swap3A_315 = tpu.vector_load %arg10[%swap3A_314] {strides = array<i32>} : memref<128xf32, #tpu.memory_space<vmem>>, vector<16xf32>,
      tpu.vector_store %arg10[%swap3A_314], %exp3A_313 {strides = array<i32>} : memref<128xf32, #tpu.memory_space<vmem>>, vector<16xf32>,
      %mul3A_316 = arith.mulf %exp3A_313, %gather3A_303 : vector<16xf32>
      %swap3A_317 = arith.constant 80 : index
      %swap3A_318 = tpu.vector_load %arg11[%swap3A_317] {strides = array<i32>} : memref<128xf32, #tpu.memory_space<vmem>>, vector<16xf32>,
      tpu.vector_store %arg11[%swap3A_317], %mul3A_316 {strides = array<i32>} : memref<128xf32, #tpu.memory_space<vmem>>, vector<16xf32>,
      %mul3A_319 = arith.mulf %exp3A_313, %gather3A_307 : vector<16xf32>
      %swap3A_320 = arith.constant 80 : index
      %swap3A_321 = tpu.vector_load %arg12[%swap3A_320] {strides = array<i32>} : memref<128xf32, #tpu.memory_space<vmem>>, vector<16xf32>,
      tpu.vector_store %arg12[%swap3A_320], %mul3A_319 {strides = array<i32>} : memref<128xf32, #tpu.memory_space<vmem>>, vector<16xf32>,
      %swap3A_322 = arith.constant 80 : index
      %swap3A_323 = tpu.vector_load %arg13[%swap3A_322] {strides = array<i32>} : memref<128xi32, #tpu.memory_space<vmem>>, vector<16xi32>,
      tpu.vector_store %arg13[%swap3A_322], %get3A_288 {strides = array<i32>} : memref<128xi32, #tpu.memory_space<vmem>>, vector<16xi32>,
      %add3A_324 = arith.constant 10240 : i32
      %add3A_325 = vector.broadcast %add3A_324 : i32 to vector<16xi32>
      %add3A_326 = arith.addi %get3A_288, %add3A_325 : vector<16xi32>
      %swap3A_327 = arith.constant 80 : index
      %swap3A_328 = tpu.vector_load %arg14[%swap3A_327] {strides = array<i32>} : memref<128xi32, #tpu.memory_space<vmem>>, vector<16xi32>,
      tpu.vector_store %arg14[%swap3A_327], %add3A_326 {strides = array<i32>} : memref<128xi32, #tpu.memory_space<vmem>>, vector<16xi32>,
      %add3A_329 = arith.constant 20480 : i32
      %add3A_330 = vector.broadcast %add3A_329 : i32 to vector<16xi32>
      %add3A_331 = arith.addi %get3A_288, %add3A_330 : vector<16xi32>
      %swap3A_332 = arith.constant 80 : index
      %swap3A_333 = tpu.vector_load %arg15[%swap3A_332] {strides = array<i32>} : memref<128xi32, #tpu.memory_space<vmem>>, vector<16xi32>,
      tpu.vector_store %arg15[%swap3A_332], %add3A_331 {strides = array<i32>} : memref<128xi32, #tpu.memory_space<vmem>>, vector<16xi32>,
      %mul3A_334 = arith.constant 128 : i32
      %mul3A_335 = arith.muli %scan3A_20, %mul3A_334 : i32
      %add3A_336 = arith.constant 96 : i32
      %add3A_337 = arith.addi %mul3A_335, %add3A_336 : i32
      %get3A_338 = arith.index_cast %add3A_337 : i32 to index
      %get3A_339 = tpu.vector_load %arg8[%get3A_338] {strides = array<i32>} : memref<10368xi32, #tpu.memory_space<vmem>>, vector<16xi32>,
      %get3A_340 = arith.index_cast %add3A_337 : i32 to index
      %get3A_341 = tpu.vector_load %arg9[%get3A_340] {strides = array<i32>} : memref<10368xi32, #tpu.memory_space<vmem>>, vector<16xi32>,
      %mul3A_342 = arith.constant 4 : i32
      %mul3A_343 = vector.broadcast %mul3A_342 : i32 to vector<16xi32>
      %mul3A_344 = arith.muli %get3A_339, %mul3A_343 : vector<16xi32>
      %add3A_345 = arith.constant 2 : i32
      %add3A_346 = vector.broadcast %add3A_345 : i32 to vector<16xi32>
      %add3A_347 = arith.addi %mul3A_344, %add3A_346 : vector<16xi32>
      %gather3A_348 = tpu.vector_load_idx %arg7[%add3A_347] : memref<40000xf32, #tpu.memory_space<vmem>>[vector<16xi32>], vector<16xf32>,
      %mul3A_349 = arith.constant 4 : i32
      %mul3A_350 = vector.broadcast %mul3A_349 : i32 to vector<16xi32>
      %mul3A_351 = arith.muli %get3A_341, %mul3A_350 : vector<16xi32>
      %add3A_352 = arith.constant 3 : i32
      %add3A_353 = vector.broadcast %add3A_352 : i32 to vector<16xi32>
      %add3A_354 = arith.addi %mul3A_351, %add3A_353 : vector<16xi32>
      %gather3A_355 = tpu.vector_load_idx %arg7[%add3A_354] : memref<40000xf32, #tpu.memory_space<vmem>>[vector<16xi32>], vector<16xf32>,
      %gather3A_356 = tpu.vector_load_idx %arg7[%mul3A_344] : memref<40000xf32, #tpu.memory_space<vmem>>[vector<16xi32>], vector<16xf32>,
      %add3A_357 = arith.constant 1 : i32
      %add3A_358 = vector.broadcast %add3A_357 : i32 to vector<16xi32>
      %add3A_359 = arith.addi %mul3A_344, %add3A_358 : vector<16xi32>
      %gather3A_360 = tpu.vector_load_idx %arg7[%add3A_359] : memref<40000xf32, #tpu.memory_space<vmem>>[vector<16xi32>], vector<16xf32>,
      %add3A_361 = arith.addf %gather3A_348, %gather3A_355 : vector<16xf32>
      %mul3A_362 = arith.constant 2.000000e-01 : f32
      %mul3A_363 = vector.broadcast %mul3A_362 : f32 to vector<16xf32>
      %mul3A_364 = arith.mulf %mul3A_363, %add3A_361 : vector<16xf32>
      %max3A_365 = arith.maximumf %add3A_361, %mul3A_364 : vector<16xf32>
      %exp3A_366 = math.exp %max3A_365 : vector<16xf32>
      %swap3A_367 = arith.constant 96 : index
      %swap3A_368 = tpu.vector_load %arg10[%swap3A_367] {strides = array<i32>} : memref<128xf32, #tpu.memory_space<vmem>>, vector<16xf32>,
      tpu.vector_store %arg10[%swap3A_367], %exp3A_366 {strides = array<i32>} : memref<128xf32, #tpu.memory_space<vmem>>, vector<16xf32>,
      %mul3A_369 = arith.mulf %exp3A_366, %gather3A_356 : vector<16xf32>
      %swap3A_370 = arith.constant 96 : index
      %swap3A_371 = tpu.vector_load %arg11[%swap3A_370] {strides = array<i32>} : memref<128xf32, #tpu.memory_space<vmem>>, vector<16xf32>,
      tpu.vector_store %arg11[%swap3A_370], %mul3A_369 {strides = array<i32>} : memref<128xf32, #tpu.memory_space<vmem>>, vector<16xf32>,
      %mul3A_372 = arith.mulf %exp3A_366, %gather3A_360 : vector<16xf32>
      %swap3A_373 = arith.constant 96 : index
      %swap3A_374 = tpu.vector_load %arg12[%swap3A_373] {strides = array<i32>} : memref<128xf32, #tpu.memory_space<vmem>>, vector<16xf32>,
      tpu.vector_store %arg12[%swap3A_373], %mul3A_372 {strides = array<i32>} : memref<128xf32, #tpu.memory_space<vmem>>, vector<16xf32>,
      %swap3A_375 = arith.constant 96 : index
      %swap3A_376 = tpu.vector_load %arg13[%swap3A_375] {strides = array<i32>} : memref<128xi32, #tpu.memory_space<vmem>>, vector<16xi32>,
      tpu.vector_store %arg13[%swap3A_375], %get3A_341 {strides = array<i32>} : memref<128xi32, #tpu.memory_space<vmem>>, vector<16xi32>,
      %add3A_377 = arith.constant 10240 : i32
      %add3A_378 = vector.broadcast %add3A_377 : i32 to vector<16xi32>
      %add3A_379 = arith.addi %get3A_341, %add3A_378 : vector<16xi32>
      %swap3A_380 = arith.constant 96 : index
      %swap3A_381 = tpu.vector_load %arg14[%swap3A_380] {strides = array<i32>} : memref<128xi32, #tpu.memory_space<vmem>>, vector<16xi32>,
      tpu.vector_store %arg14[%swap3A_380], %add3A_379 {strides = array<i32>} : memref<128xi32, #tpu.memory_space<vmem>>, vector<16xi32>,
      %add3A_382 = arith.constant 20480 : i32
      %add3A_383 = vector.broadcast %add3A_382 : i32 to vector<16xi32>
      %add3A_384 = arith.addi %get3A_341, %add3A_383 : vector<16xi32>
      %swap3A_385 = arith.constant 96 : index
      %swap3A_386 = tpu.vector_load %arg15[%swap3A_385] {strides = array<i32>} : memref<128xi32, #tpu.memory_space<vmem>>, vector<16xi32>,
      tpu.vector_store %arg15[%swap3A_385], %add3A_384 {strides = array<i32>} : memref<128xi32, #tpu.memory_space<vmem>>, vector<16xi32>,
      %mul3A_387 = arith.constant 128 : i32
      %mul3A_388 = arith.muli %scan3A_20, %mul3A_387 : i32
      %add3A_389 = arith.constant 112 : i32
      %add3A_390 = arith.addi %mul3A_388, %add3A_389 : i32
      %get3A_391 = arith.index_cast %add3A_390 : i32 to index
      %get3A_392 = tpu.vector_load %arg8[%get3A_391] {strides = array<i32>} : memref<10368xi32, #tpu.memory_space<vmem>>, vector<16xi32>,
      %get3A_393 = arith.index_cast %add3A_390 : i32 to index
      %get3A_394 = tpu.vector_load %arg9[%get3A_393] {strides = array<i32>} : memref<10368xi32, #tpu.memory_space<vmem>>, vector<16xi32>,
      %mul3A_395 = arith.constant 4 : i32
      %mul3A_396 = vector.broadcast %mul3A_395 : i32 to vector<16xi32>
      %mul3A_397 = arith.muli %get3A_392, %mul3A_396 : vector<16xi32>
      %add3A_398 = arith.constant 2 : i32
      %add3A_399 = vector.broadcast %add3A_398 : i32 to vector<16xi32>
      %add3A_400 = arith.addi %mul3A_397, %add3A_399 : vector<16xi32>
      %gather3A_401 = tpu.vector_load_idx %arg7[%add3A_400] : memref<40000xf32, #tpu.memory_space<vmem>>[vector<16xi32>], vector<16xf32>,
      %mul3A_402 = arith.constant 4 : i32
      %mul3A_403 = vector.broadcast %mul3A_402 : i32 to vector<16xi32>
      %mul3A_404 = arith.muli %get3A_394, %mul3A_403 : vector<16xi32>
      %add3A_405 = arith.constant 3 : i32
      %add3A_406 = vector.broadcast %add3A_405 : i32 to vector<16xi32>
      %add3A_407 = arith.addi %mul3A_404, %add3A_406 : vector<16xi32>
      %gather3A_408 = tpu.vector_load_idx %arg7[%add3A_407] : memref<40000xf32, #tpu.memory_space<vmem>>[vector<16xi32>], vector<16xf32>,
      %gather3A_409 = tpu.vector_load_idx %arg7[%mul3A_397] : memref<40000xf32, #tpu.memory_space<vmem>>[vector<16xi32>], vector<16xf32>,
      %add3A_410 = arith.constant 1 : i32
      %add3A_411 = vector.broadcast %add3A_410 : i32 to vector<16xi32>
      %add3A_412 = arith.addi %mul3A_397, %add3A_411 : vector<16xi32>
      %gather3A_413 = tpu.vector_load_idx %arg7[%add3A_412] : memref<40000xf32, #tpu.memory_space<vmem>>[vector<16xi32>], vector<16xf32>,
      %add3A_414 = arith.addf %gather3A_401, %gather3A_408 : vector<16xf32>
      %mul3A_415 = arith.constant 2.000000e-01 : f32
      %mul3A_416 = vector.broadcast %mul3A_415 : f32 to vector<16xf32>
      %mul3A_417 = arith.mulf %mul3A_416, %add3A_414 : vector<16xf32>
      %max3A_418 = arith.maximumf %add3A_414, %mul3A_417 : vector<16xf32>
      %exp3A_419 = math.exp %max3A_418 : vector<16xf32>
      %swap3A_420 = arith.constant 112 : index
      %swap3A_421 = tpu.vector_load %arg10[%swap3A_420] {strides = array<i32>} : memref<128xf32, #tpu.memory_space<vmem>>, vector<16xf32>,
      tpu.vector_store %arg10[%swap3A_420], %exp3A_419 {strides = array<i32>} : memref<128xf32, #tpu.memory_space<vmem>>, vector<16xf32>,
      %mul3A_422 = arith.mulf %exp3A_419, %gather3A_409 : vector<16xf32>
      %swap3A_423 = arith.constant 112 : index
      %swap3A_424 = tpu.vector_load %arg11[%swap3A_423] {strides = array<i32>} : memref<128xf32, #tpu.memory_space<vmem>>, vector<16xf32>,
      tpu.vector_store %arg11[%swap3A_423], %mul3A_422 {strides = array<i32>} : memref<128xf32, #tpu.memory_space<vmem>>, vector<16xf32>,
      %mul3A_425 = arith.mulf %exp3A_419, %gather3A_413 : vector<16xf32>
      %swap3A_426 = arith.constant 112 : index
      %swap3A_427 = tpu.vector_load %arg12[%swap3A_426] {strides = array<i32>} : memref<128xf32, #tpu.memory_space<vmem>>, vector<16xf32>,
      tpu.vector_store %arg12[%swap3A_426], %mul3A_425 {strides = array<i32>} : memref<128xf32, #tpu.memory_space<vmem>>, vector<16xf32>,
      %swap3A_428 = arith.constant 112 : index
      %swap3A_429 = tpu.vector_load %arg13[%swap3A_428] {strides = array<i32>} : memref<128xi32, #tpu.memory_space<vmem>>, vector<16xi32>,
      tpu.vector_store %arg13[%swap3A_428], %get3A_394 {strides = array<i32>} : memref<128xi32, #tpu.memory_space<vmem>>, vector<16xi32>,
      %add3A_430 = arith.constant 10240 : i32
      %add3A_431 = vector.broadcast %add3A_430 : i32 to vector<16xi32>
      %add3A_432 = arith.addi %get3A_394, %add3A_431 : vector<16xi32>
      %swap3A_433 = arith.constant 112 : index
      %swap3A_434 = tpu.vector_load %arg14[%swap3A_433] {strides = array<i32>} : memref<128xi32, #tpu.memory_space<vmem>>, vector<16xi32>,
      tpu.vector_store %arg14[%swap3A_433], %add3A_432 {strides = array<i32>} : memref<128xi32, #tpu.memory_space<vmem>>, vector<16xi32>,
      %add3A_435 = arith.constant 20480 : i32
      %add3A_436 = vector.broadcast %add3A_435 : i32 to vector<16xi32>
      %add3A_437 = arith.addi %get3A_394, %add3A_436 : vector<16xi32>
      %swap3A_438 = arith.constant 112 : index
      %swap3A_439 = tpu.vector_load %arg15[%swap3A_438] {strides = array<i32>} : memref<128xi32, #tpu.memory_space<vmem>>, vector<16xi32>,
      tpu.vector_store %arg15[%swap3A_438], %add3A_437 {strides = array<i32>} : memref<128xi32, #tpu.memory_space<vmem>>, vector<16xi32>,
      "tpu.region"() ({
        %run_scoped3A = tpu.sem_alloc : memref<!tpu.dma_semaphore, #tpu.memory_space<semaphore_mem>>
        %dma_start3A = arith.constant 0 : i32
        %dma_start3A_440 = tpu.memref_slice %arg16[%dma_start3A] : memref<30720xf32, #tpu.memory_space<vmem_shared>> -> memref<30720xf32, #tpu.memory_space<vmem_shared>>
        tpu.enqueue_indirect_dma source(%arg10 : memref<128xf32, #tpu.memory_space<vmem>>) target(%dma_start3A_440 : memref<30720xf32, #tpu.memory_space<vmem_shared>>) offsets(%arg13 : memref<128xi32, #tpu.memory_space<vmem>>) semaphore(%run_scoped3A : memref<!tpu.dma_semaphore, #tpu.memory_space<semaphore_mem>>) {add = true}
        %dma_wait3A = arith.constant 0 : i32
        %dma_wait3A_441 = tpu.memref_slice %arg16[%dma_wait3A] : memref<30720xf32, #tpu.memory_space<vmem_shared>> -> memref<30720xf32, #tpu.memory_space<vmem_shared>>
        tpu.wait_indirect_dma semaphore(%run_scoped3A : memref<!tpu.dma_semaphore, #tpu.memory_space<semaphore_mem>>) src(%arg10 : memref<128xf32, #tpu.memory_space<vmem>>) dst(%dma_wait3A_441 : memref<30720xf32, #tpu.memory_space<vmem_shared>>)
        tpu.yield
      }) : () -> ()
      "tpu.region"() ({
        %run_scoped3A = tpu.sem_alloc : memref<!tpu.dma_semaphore, #tpu.memory_space<semaphore_mem>>
        %dma_start3A = arith.constant 0 : i32
        %dma_start3A_440 = tpu.memref_slice %arg16[%dma_start3A] : memref<30720xf32, #tpu.memory_space<vmem_shared>> -> memref<30720xf32, #tpu.memory_space<vmem_shared>>
        tpu.enqueue_indirect_dma source(%arg11 : memref<128xf32, #tpu.memory_space<vmem>>) target(%dma_start3A_440 : memref<30720xf32, #tpu.memory_space<vmem_shared>>) offsets(%arg14 : memref<128xi32, #tpu.memory_space<vmem>>) semaphore(%run_scoped3A : memref<!tpu.dma_semaphore, #tpu.memory_space<semaphore_mem>>) {add = true}
        %dma_wait3A = arith.constant 0 : i32
        %dma_wait3A_441 = tpu.memref_slice %arg16[%dma_wait3A] : memref<30720xf32, #tpu.memory_space<vmem_shared>> -> memref<30720xf32, #tpu.memory_space<vmem_shared>>
        tpu.wait_indirect_dma semaphore(%run_scoped3A : memref<!tpu.dma_semaphore, #tpu.memory_space<semaphore_mem>>) src(%arg11 : memref<128xf32, #tpu.memory_space<vmem>>) dst(%dma_wait3A_441 : memref<30720xf32, #tpu.memory_space<vmem_shared>>)
        tpu.yield
      }) : () -> ()
      "tpu.region"() ({
        %run_scoped3A = tpu.sem_alloc : memref<!tpu.dma_semaphore, #tpu.memory_space<semaphore_mem>>
        %dma_start3A = arith.constant 0 : i32
        %dma_start3A_440 = tpu.memref_slice %arg16[%dma_start3A] : memref<30720xf32, #tpu.memory_space<vmem_shared>> -> memref<30720xf32, #tpu.memory_space<vmem_shared>>
        tpu.enqueue_indirect_dma source(%arg12 : memref<128xf32, #tpu.memory_space<vmem>>) target(%dma_start3A_440 : memref<30720xf32, #tpu.memory_space<vmem_shared>>) offsets(%arg15 : memref<128xi32, #tpu.memory_space<vmem>>) semaphore(%run_scoped3A : memref<!tpu.dma_semaphore, #tpu.memory_space<semaphore_mem>>) {add = true}
        %dma_wait3A = arith.constant 0 : i32
        %dma_wait3A_441 = tpu.memref_slice %arg16[%dma_wait3A] : memref<30720xf32, #tpu.memory_space<vmem_shared>> -> memref<30720xf32, #tpu.memory_space<vmem_shared>>
        tpu.wait_indirect_dma semaphore(%run_scoped3A : memref<!tpu.dma_semaphore, #tpu.memory_space<semaphore_mem>>) src(%arg12 : memref<128xf32, #tpu.memory_space<vmem>>) dst(%dma_wait3A_441 : memref<30720xf32, #tpu.memory_space<vmem_shared>>)
        tpu.yield
      }) : () -> ()
    }
    %scan3A_11 = arith.constant 81 : i32
    %barrier3A_12 = arith.constant 0 : index
    tpu.barrier barrier_id(%barrier3A_12)
    %mul3A_13 = arith.constant 1920 : i32
    %mul3A_14 = arith.muli %arg1, %mul3A_13 : i32
    %mul3A_15 = arith.constant 30720 : i32
    %mul3A_16 = arith.muli %arg0, %mul3A_15 : i32
    %mul3A_17 = arith.constant 1920 : i32
    %mul3A_18 = arith.muli %arg1, %mul3A_17 : i32
    %add3A_19 = arith.addi %mul3A_16, %mul3A_18 : i32
    "tpu.region"() ({
      %run_scoped3A = tpu.sem_alloc : memref<!tpu.dma_semaphore, #tpu.memory_space<semaphore_mem>>
      %dma_start3A = tpu.memref_slice %arg6[%add3A_19] : memref<61440xf32, #tpu.memory_space<hbm>> -> memref<1920xf32, #tpu.memory_space<hbm>>
      %dma_start3A_20 = tpu.memref_slice %arg16[%mul3A_14] : memref<30720xf32, #tpu.memory_space<vmem_shared>> -> memref<1920xf32, #tpu.memory_space<vmem_shared>>
      tpu.enqueue_dma source(%dma_start3A_20 : memref<1920xf32, #tpu.memory_space<vmem_shared>>) target(%dma_start3A : memref<1920xf32, #tpu.memory_space<hbm>>) target_semaphore(%run_scoped3A : memref<!tpu.dma_semaphore, #tpu.memory_space<semaphore_mem>>)
      %dma_wait3A = tpu.memref_slice %arg6[%add3A_19] : memref<61440xf32, #tpu.memory_space<hbm>> -> memref<1920xf32, #tpu.memory_space<hbm>>
      %dma_wait3A_21 = tpu.memref_slice %arg16[%mul3A_14] : memref<30720xf32, #tpu.memory_space<vmem_shared>> -> memref<1920xf32, #tpu.memory_space<vmem_shared>>
      tpu.wait_dma2 semaphore(%run_scoped3A : memref<!tpu.dma_semaphore, #tpu.memory_space<semaphore_mem>>) src(%dma_wait3A_21 : memref<1920xf32, #tpu.memory_space<vmem_shared>>) dst(%dma_wait3A : memref<1920xf32, #tpu.memory_space<hbm>>)
      tpu.yield
    }) : () -> ()
    return
  }
}

module attributes {stable_mosaic.version = 14 : i64} {
  func.func @_hsd_body(%arg0: i32, %arg1: memref<1000x128xf32, #tpu.memory_space<vmem>>, %arg2: memref<128x2xf32, #tpu.memory_space<vmem>>, %arg3: memref<2x1xf32, #tpu.memory_space<vmem>>, %arg4: memref<2x1xf32, #tpu.memory_space<vmem>>, %arg5: memref<1000x4xf32, #tpu.memory_space<vmem>>) attributes {dimension_semantics = [#tpu.dimension_semantics<arbitrary>], iteration_bounds = array<i64: 10>, scalar_prefetch = 0 : i64, scratch_operands = 0 : i64, tpu.core_type = #tpu.core_type<tc>, window_params = [{transform_indices = @transform_0, window_bounds = array<i64: 1000, 128>}, {pipeline_mode = #tpu.pipeline_mode<synchronous>, transform_indices = @transform_1, window_bounds = array<i64: 128, 2>}, {pipeline_mode = #tpu.pipeline_mode<synchronous>, transform_indices = @transform_2, window_bounds = array<i64: 2, 1>}, {pipeline_mode = #tpu.pipeline_mode<synchronous>, transform_indices = @transform_3, window_bounds = array<i64: 2, 1>}, {transform_indices = @transform_4, window_bounds = array<i64: 1000, 4>}]} {
    %get3A = arith.constant 0 : index
    %get3A_0 = arith.constant 0 : index
    %get3A_1 = vector.load %arg2[%get3A, %get3A_0] : memref<128x2xf32, #tpu.memory_space<vmem>>, vector<128x2xf32>
    %get3A_2 = arith.constant 0 : index
    %get3A_3 = arith.constant 0 : index
    %get3A_4 = vector.load %arg3[%get3A_2, %get3A_3] : memref<2x1xf32, #tpu.memory_space<vmem>>, vector<2x1xf32>
    %dot_general3A = arith.constant dense<0.000000e+00> : vector<128x1xf32>
    %dot_general3A_5 = tpu.matmul %get3A_1, %get3A_4, %dot_general3A {dimension_numbers = #tpu.dot_dimension_numbers<[1], [0], [0], [1], [0, 0, 1, 1], [], []>, transpose_lhs_hint = false} : vector<128x2xf32>, vector<2x1xf32>, vector<128x1xf32> -> vector<128x1xf32>
    %get3A_6 = arith.constant 0 : index
    %get3A_7 = arith.constant 0 : index
    %get3A_8 = vector.load %arg4[%get3A_6, %get3A_7] : memref<2x1xf32, #tpu.memory_space<vmem>>, vector<2x1xf32>
    %dot_general3A_9 = arith.constant dense<0.000000e+00> : vector<128x1xf32>
    %dot_general3A_10 = tpu.matmul %get3A_1, %get3A_8, %dot_general3A_9 {dimension_numbers = #tpu.dot_dimension_numbers<[1], [0], [0], [1], [0, 0, 1, 1], [], []>, transpose_lhs_hint = false} : vector<128x2xf32>, vector<2x1xf32>, vector<128x1xf32> -> vector<128x1xf32>
    %concatenate3A = tpu.concatenate %get3A_1, %dot_general3A_5, %dot_general3A_10 in 1 : vector<128x2xf32>, vector<128x1xf32>, vector<128x1xf32> -> vector<128x4xf32>
    %get3A_11 = arith.constant 0 : index
    %get3A_12 = arith.constant 0 : index
    %get3A_13 = vector.load %arg1[%get3A_11, %get3A_12] : memref<1000x128xf32, #tpu.memory_space<vmem>>, vector<1000x128xf32>
    %dot_general3A_14 = arith.constant dense<0.000000e+00> : vector<1000x4xf32>
    %dot_general3A_15 = tpu.matmul %get3A_13, %concatenate3A, %dot_general3A_14 {dimension_numbers = #tpu.dot_dimension_numbers<[1], [0], [0], [1], [0, 0, 1, 1], [], []>, transpose_lhs_hint = false} : vector<1000x128xf32>, vector<128x4xf32>, vector<1000x4xf32> -> vector<1000x4xf32>
    %swap3A = arith.constant 0 : index
    %swap3A_16 = arith.constant 0 : index
    %swap3A_17 = vector.load %arg5[%swap3A, %swap3A_16] : memref<1000x4xf32, #tpu.memory_space<vmem>>, vector<1000x4xf32>
    tpu.vector_store %arg5[%swap3A, %swap3A_16], %dot_general3A_15 {strides = array<i32>} : memref<1000x4xf32, #tpu.memory_space<vmem>>, vector<1000x4xf32>,
    return
  }
  func.func @transform_0(%arg0: i32) -> (i32, i32) {
    %c0_i32 = arith.constant 0 : i32
    %c0_i32_0 = arith.constant 0 : i32
    return %arg0, %c0_i32 : i32, i32
  }
  func.func @transform_1(%arg0: i32) -> (i32, i32) {
    %c0_i32 = arith.constant 0 : i32
    %c0_i32_0 = arith.constant 0 : i32
    %c0_i32_1 = arith.constant 0 : i32
    return %c0_i32, %c0_i32_0 : i32, i32
  }
  func.func @transform_2(%arg0: i32) -> (i32, i32) {
    %c0_i32 = arith.constant 0 : i32
    %c0_i32_0 = arith.constant 0 : i32
    %c0_i32_1 = arith.constant 0 : i32
    return %c0_i32, %c0_i32_0 : i32, i32
  }
  func.func @transform_3(%arg0: i32) -> (i32, i32) {
    %c0_i32 = arith.constant 0 : i32
    %c0_i32_0 = arith.constant 0 : i32
    %c0_i32_1 = arith.constant 0 : i32
    return %c0_i32, %c0_i32_0 : i32, i32
  }
  func.func @transform_4(%arg0: i32) -> (i32, i32) {
    %c0_i32 = arith.constant 0 : i32
    %c0_i32_0 = arith.constant 0 : i32
    return %arg0, %c0_i32 : i32, i32
  }
}

module attributes {stable_mosaic.version = 14 : i64} {
  func.func @_combine_body(%arg0: memref<2x3x80x128xf32, #tpu.memory_space<vmem>>, %arg1: memref<1x2xf32, #tpu.memory_space<vmem>>, %arg2: memref<2x80x128xf32, #tpu.memory_space<vmem>>) attributes {dimension_semantics = [], scalar_prefetch = 0 : i64, scratch_operands = 0 : i64, tpu.core_type = #tpu.core_type<tc>} {
    %get3A = arith.constant 0 : index
    %get3A_0 = arith.constant 0 : index
    %get3A_1 = arith.constant 0 : index
    %get3A_2 = arith.constant 0 : index
    %get3A_3 = vector.load %arg0[%get3A, %get3A_0, %get3A_1, %get3A_2] : memref<2x3x80x128xf32, #tpu.memory_space<vmem>>, vector<1x1x80x128xf32>
    %get3A_4 = vector.shape_cast %get3A_3 : vector<1x1x80x128xf32> to vector<80x128xf32>
    %get3A_5 = arith.constant 1 : index
    %get3A_6 = arith.constant 0 : index
    %get3A_7 = arith.constant 0 : index
    %get3A_8 = arith.constant 0 : index
    %get3A_9 = vector.load %arg0[%get3A_5, %get3A_6, %get3A_7, %get3A_8] : memref<2x3x80x128xf32, #tpu.memory_space<vmem>>, vector<1x1x80x128xf32>
    %get3A_10 = vector.shape_cast %get3A_9 : vector<1x1x80x128xf32> to vector<80x128xf32>
    %add3A = arith.addf %get3A_4, %get3A_10 : vector<80x128xf32>
    %add3A_11 = arith.constant 9.99999971E-10 : f32
    %add3A_12 = vector.broadcast %add3A_11 : f32 to vector<80x128xf32>
    %add3A_13 = arith.addf %add3A, %add3A_12 : vector<80x128xf32>
    %get3A_14 = arith.constant 0 : index
    %get3A_15 = arith.constant 1 : index
    %get3A_16 = arith.constant 0 : index
    %get3A_17 = arith.constant 0 : index
    %get3A_18 = vector.load %arg0[%get3A_14, %get3A_15, %get3A_16, %get3A_17] : memref<2x3x80x128xf32, #tpu.memory_space<vmem>>, vector<1x1x80x128xf32>
    %get3A_19 = vector.shape_cast %get3A_18 : vector<1x1x80x128xf32> to vector<80x128xf32>
    %get3A_20 = arith.constant 1 : index
    %get3A_21 = arith.constant 1 : index
    %get3A_22 = arith.constant 0 : index
    %get3A_23 = arith.constant 0 : index
    %get3A_24 = vector.load %arg0[%get3A_20, %get3A_21, %get3A_22, %get3A_23] : memref<2x3x80x128xf32, #tpu.memory_space<vmem>>, vector<1x1x80x128xf32>
    %get3A_25 = vector.shape_cast %get3A_24 : vector<1x1x80x128xf32> to vector<80x128xf32>
    %add3A_26 = arith.addf %get3A_19, %get3A_25 : vector<80x128xf32>
    %div3A = arith.divf %add3A_26, %add3A_13 : vector<80x128xf32>
    %get3A_27 = arith.constant 0 : index
    %get3A_28 = arith.constant 0 : index
    %get3A_29 = vector.load %arg1[%get3A_27, %get3A_28] : memref<1x2xf32, #tpu.memory_space<vmem>>, vector<1x1xf32>
    %get3A_30 = vector.extract %get3A_29[0, 0] : f32 from vector<1x1xf32>
    %add3A_31 = vector.broadcast %get3A_30 : f32 to vector<80x128xf32>
    %add3A_32 = arith.addf %div3A, %add3A_31 : vector<80x128xf32>
    %get3A_33 = arith.constant 0 : index
    %get3A_34 = arith.constant 2 : index
    %get3A_35 = arith.constant 0 : index
    %get3A_36 = arith.constant 0 : index
    %get3A_37 = vector.load %arg0[%get3A_33, %get3A_34, %get3A_35, %get3A_36] : memref<2x3x80x128xf32, #tpu.memory_space<vmem>>, vector<1x1x80x128xf32>
    %get3A_38 = vector.shape_cast %get3A_37 : vector<1x1x80x128xf32> to vector<80x128xf32>
    %get3A_39 = arith.constant 1 : index
    %get3A_40 = arith.constant 2 : index
    %get3A_41 = arith.constant 0 : index
    %get3A_42 = arith.constant 0 : index
    %get3A_43 = vector.load %arg0[%get3A_39, %get3A_40, %get3A_41, %get3A_42] : memref<2x3x80x128xf32, #tpu.memory_space<vmem>>, vector<1x1x80x128xf32>
    %get3A_44 = vector.shape_cast %get3A_43 : vector<1x1x80x128xf32> to vector<80x128xf32>
    %add3A_45 = arith.addf %get3A_38, %get3A_44 : vector<80x128xf32>
    %div3A_46 = arith.divf %add3A_45, %add3A_13 : vector<80x128xf32>
    %get3A_47 = arith.constant 0 : index
    %get3A_48 = arith.constant 1 : index
    %get3A_49 = vector.load %arg1[%get3A_47, %get3A_48] : memref<1x2xf32, #tpu.memory_space<vmem>>, vector<1x1xf32>
    %get3A_50 = vector.extract %get3A_49[0, 0] : f32 from vector<1x1xf32>
    %add3A_51 = vector.broadcast %get3A_50 : f32 to vector<80x128xf32>
    %add3A_52 = arith.addf %div3A_46, %add3A_51 : vector<80x128xf32>
    %max3A = arith.maximumf %add3A_32, %add3A_52 : vector<80x128xf32>
    %sub3A = arith.subf %add3A_32, %max3A : vector<80x128xf32>
    %exp3A = math.exp %sub3A : vector<80x128xf32>
    %sub3A_53 = arith.subf %add3A_52, %max3A : vector<80x128xf32>
    %exp3A_54 = math.exp %sub3A_53 : vector<80x128xf32>
    %add3A_55 = arith.addf %exp3A, %exp3A_54 : vector<80x128xf32>
    %div3A_56 = arith.divf %exp3A, %add3A_55 : vector<80x128xf32>
    %swap3A = arith.constant 0 : index
    %swap3A_57 = arith.constant 0 : index
    %swap3A_58 = arith.constant 0 : index
    %swap3A_59 = vector.load %arg2[%swap3A, %swap3A_57, %swap3A_58] : memref<2x80x128xf32, #tpu.memory_space<vmem>>, vector<1x80x128xf32>
    %swap3A_60 = vector.shape_cast %swap3A_59 : vector<1x80x128xf32> to vector<80x128xf32>
    %swap3A_61 = vector.shape_cast %div3A_56 : vector<80x128xf32> to vector<1x80x128xf32>
    tpu.vector_store %arg2[%swap3A, %swap3A_57, %swap3A_58], %swap3A_61 {strides = array<i32>} : memref<2x80x128xf32, #tpu.memory_space<vmem>>, vector<1x80x128xf32>,
    %div3A_62 = arith.divf %exp3A_54, %add3A_55 : vector<80x128xf32>
    %swap3A_63 = arith.constant 1 : index
    %swap3A_64 = arith.constant 0 : index
    %swap3A_65 = arith.constant 0 : index
    %swap3A_66 = vector.load %arg2[%swap3A_63, %swap3A_64, %swap3A_65] : memref<2x80x128xf32, #tpu.memory_space<vmem>>, vector<1x80x128xf32>
    %swap3A_67 = vector.shape_cast %swap3A_66 : vector<1x80x128xf32> to vector<80x128xf32>
    %swap3A_68 = vector.shape_cast %div3A_62 : vector<80x128xf32> to vector<1x80x128xf32>
    tpu.vector_store %arg2[%swap3A_63, %swap3A_64, %swap3A_65], %swap3A_68 {strides = array<i32>} : memref<2x80x128xf32, #tpu.memory_space<vmem>>, vector<1x80x128xf32>,
    return
  }
}

</mosaic_0001>

<sc_bundles>
// kernel: kernel.5.cloned.1.call-start
scs
__scs_entry_jumppad:
0x0: {  	(pc) =	sbr.rel $0x88, $3  }
0x1: {  	(tag) =	ssettag $0x0;
	lr =	simm.s32 $0x1  }
0x2: {  	[smem:$0x3F9B] =	sst lr;
	_ =	strace $0xD0000000  }
0x3: {  	_ = 	snop  }
0x4: {  	_ = 	snop  }
0x5: {  	_ = 	snop  }
0x6: {  	_ = 	snop  }
0x7: {  	_ = 	snop  }
__scs_overlays_trampoline_lowered:
0x8: {  	[smem:$0x3FAA] =	sst s0  }
0x9: {  	[smem:$0x3FAB] =	sst s1  }
0xa: {  	[smem:$0x3FAC] =	sst s2  }
0xb: {  	[smem:$0x3FAD] =	sst s3  }
0xc: {  	[smem:$0x3FAE] =	sst s4  }
0xd: {  	[smem:$0x3FAF] =	sst s5  }
0xe: {  	[smem:$0x3FB0] =	sst s6  }
0xf: {  	[smem:$0x3FB1] =	sst s7  }
0x10: {  	[smem:$0x3FB2] =	sst s8  }
0x11: {  	[smem:$0x3FB3] =	sst s9;
	s0 =	simm.s32 @!p0 $0x0  }
0x12: {  	s1 =	sld [smem:$0x3F99];
	s0 =	simm.s32 @p0 $0x1  }
0x13: {  	[smem:$0x3FB4] =	sst s0;
	s0 =	simm.s32 @!p1 $0x0  }
0x14: {  	s2 =	sld [smem:$0x3F98];
	s0 =	simm.s32 @p1 $0x1  }
0x15: {  	[smem:$0x3FB5] =	sst s0;
	s0 =	simm.s32 @!p2 $0x0  }
0x16: {  	s3 =	sld [smem:$0x3FDB];
	s0 =	simm.s32 @p2 $0x1  }
0x17: {  	s4 =	simm.s32 $0x1BF5;
	[smem:$0x3FB7] =	sst s0  }
0x18: {  	s0 =	sld [smem:$0x3F9A];
	_ =	swait.ge [sflag:s4], $0x0  }
0x19: {  	s7 =	sld [smem:$0x3F9B]  }
0x1a: {  	s8 =	sadd.s32 $0xFFFFE003, lr  }
0x1b: {  	s9 =	sadd.s32 $0xFFFFFEF7, lr;
	s5 =	simm.s32 $0xFFFFFFFF;
	p2 =	slt.u32 s8, $0xFFFFF086  }
0x1c: {  	p1 =	slt.u32 s9, $0xF7A;
	s5 =	simm.s32 @!p2 $0x0  }
0x1d: {  	s5 =	simm.s32 @p1 $0x1;
	p0 =	seq.s32 s7, s2  }
0x1e: {  	s7 =	smul.u32 @!p0 $0xF7A, s2;
	p2 =	seq.s32 @!p0 s5, $0x0  }
0x1f: {  	s9 =	smul.u32 $0xF7A, s1;
	s8 =	simm.s32 @!p0 $0x1BF5;
	p2 =	por !p2, p0  }
0x20: {  	[sflag:s8] =	ssyncset.s32 @!p0 $0xFFFFF086;
	s6 =	sadd.s32 @!p0 s3, s7;
	s7 =	simm.s32 @!p0 $0x108  }
0x21: {  	s3 =	sadd.s32 s3, s9;
	s6 =	sadd.s32 @!p0 $0x88, s6;
	s7 =	simm.s32 @p2 $0x1082  }
0x22: {  	[simem:s7], [sflag:s8] =	dma.local @!p0 [hbm:s6], $0xF7A  }
0x23: {  	s9 =	sor.u32 $0xD0000000, s2;
	s6 =	simm.s32 $0x108;
	_ =	swait.ge @!p0 [sflag:s8], $0x0  }
0x24: {  	s3 =	sadd.s32 $0x88, s3;
	s6 =	simm.s32 @!p1 $0x1082;
	[sflag:s4] =	ssyncset.s32 $0xFFFFF086  }
0x25: {  	[simem:s6], [sflag:s4] =	dma.local [hbm:s3], $0xF7A  }
0x26: {  	[smem:$0x3F9B] =	sst s1;
	(tag) =	ssettag s2;
	_ =	strace s9  }
0x27: {  	s1 =	sld [smem:$0x3FAB]  }
0x28: {  	s2 =	sld [smem:$0x3FAC]  }
0x29: {  	s4 =	sld [smem:$0x3FAE]  }
0x2a: {  	p0 =	seq.s32 s5, $0x0;
	s5 =	sld [smem:$0x3FAF]  }
0x2b: {  	s6 =	sld [smem:$0x3FB0]  }
0x2c: {  	s7 =	sld [smem:$0x3FB1]  }
0x2d: {  	s3 =	simm.s32 $0x108;
	s8 =	sld [smem:$0x3FB2]  }
0x2e: {  	s3 =	simm.s32 @!p0 $0x1082;
	s9 =	sld [smem:$0x3FB3]  }
0x2f: {  	lr =	sadd.s32 s0, s3;
	s0 =	sld [smem:$0x3FAA]  }
0x30: {  	s3 =	sld [smem:$0x3FAD]  }
0x31: {  	[smem:$0x3FB6] =	sst s10  }
0x32: {  	s10 =	sld [smem:$0x3FB4];
	_ =	sdelay $0x3  }
0x33: {  	p0 =	seq.s32 s10, $0x1;
	s10 =	sld [smem:$0x3FB6];
	_ =	sdelay $0x3  }
0x34: {  	[smem:$0x3FB6] =	sst s10  }
0x35: {  	s10 =	sld [smem:$0x3FB5];
	_ =	sdelay $0x3  }
0x36: {  	p1 =	seq.s32 s10, $0x1;
	s10 =	sld [smem:$0x3FB6];
	_ =	sdelay $0x3  }
0x37: {  	[smem:$0x3FB6] =	sst s10  }
0x38: {  	s10 =	sld [smem:$0x3FB7]  }
0x39: {  	_ = 	snop;
	(pc) =	sbr.ind lr, $3  }
0x3a: {  	_ = 	snop  }
0x3b: {  	_ = 	snop  }
0x3c: {  	p2 =	seq.s32 s10, $0x1;
	s10 =	sld [smem:$0x3FB6]  }
0x3d: {  	_ =	shalt  }
0x3e: {  	_ =	shalt  }
0x3f: {  	_ =	shalt  }
0x40: {  	_ =	shalt  }
0x41: {  	_ =	shalt  }
0x42: {  	_ =	shalt  }
0x43: {  	_ =	shalt  }
0x44: {  	_ =	shalt  }
0x45: {  	_ =	shalt  }
0x46: {  	_ =	shalt  }
0x47: {  	_ =	shalt  }
0x48: {  	_ =	shalt  }
0x49: {  	_ =	shalt  }
0x4a: {  	_ =	shalt  }
0x4b: {  	_ =	shalt  }
0x4c: {  	_ =	shalt  }
0x4d: {  	_ =	shalt  }
0x4e: {  	_ =	shalt  }
0x4f: {  	_ =	shalt  }
0x50: {  	_ =	shalt  }
0x51: {  	_ =	shalt  }
0x52: {  	_ =	shalt  }
0x53: {  	_ =	shalt  }
0x54: {  	_ =	shalt  }
0x55: {  	_ =	shalt  }
0x56: {  	_ =	shalt  }
0x57: {  	_ =	shalt  }
0x58: {  	_ =	shalt  }
0x59: {  	_ =	shalt  }
0x5a: {  	_ =	shalt  }
0x5b: {  	_ =	shalt  }
0x5c: {  	_ =	shalt  }
0x5d: {  	_ =	shalt  }
0x5e: {  	_ =	shalt  }
0x5f: {  	_ =	shalt  }
0x60: {  	_ =	shalt  }
0x61: {  	_ =	shalt  }
0x62: {  	_ =	shalt  }
0x63: {  	_ =	shalt  }
0x64: {  	_ =	shalt  }
0x65: {  	_ =	shalt  }
0x66: {  	_ =	shalt  }
0x67: {  	_ =	shalt  }
0x68: {  	_ =	shalt  }
0x69: {  	_ =	shalt  }
0x6a: {  	_ =	shalt  }
0x6b: {  	_ =	shalt  }
0x6c: {  	_ =	shalt  }
0x6d: {  	_ =	shalt  }
0x6e: {  	_ =	shalt  }
0x6f: {  	_ =	shalt  }
0x70: {  	_ =	shalt  }
0x71: {  	_ =	shalt  }
0x72: {  	_ =	shalt  }
0x73: {  	_ =	shalt  }
0x74: {  	_ =	shalt  }
0x75: {  	_ =	shalt  }
0x76: {  	_ =	shalt  }
0x77: {  	_ =	shalt  }
0x78: {  	_ =	shalt  }
0x79: {  	_ =	shalt  }
0x7a: {  	_ =	shalt  }
0x7b: {  	_ =	shalt  }
0x7c: {  	_ =	shalt  }
0x7d: {  	_ =	shalt  }
0x7e: {  	_ =	shalt  }
0x7f: {  	_ =	shalt  }
0x80: {  	_ =	shalt  }
0x81: {  	_ =	shalt  }
0x82: {  	_ =	shalt  }
0x83: {  	_ =	shalt  }
0x84: {  	_ =	shalt  }
0x85: {  	_ =	shalt  }
0x86: {  	_ =	shalt  }
0x87: {  	_ =	shalt  }
.Lfunc_end0:
.L_simem_size_0:
called_computation_lowered:
.L_overlay_start_0:
0x88: {  	s2 =	sld [smem:$0x3FD9]  }
0x89: {  	s3 =	sld [smem:$0x3FFE];
	_ =	sdelay $0x1  }
0x8a: {  	s1 =	srdreg.scid  }
0x8b: {  	s0 =	sand.u32 $0x1, s1  }
0x8c: {  	s16 =	sshll.u32 s0, $0xA;
	s2 =	sadd.s32 s3, s2  }
0x8d: {  	s2 =	sadd.s32 s2, s16  }
0x8e: {  	[smem:$0x3FC2] =	sst s2  }
0x8f: {  	_ = 	snop  }
0x90: {  	(tm) =	ssettm $0x1  }
0x91: {  	s17 =	sld [smem:$0x3FFB];
	_ =	sdelay $0x3  }
0x92: {  	_ =	strace s17  }
0x93: {  	s2 =	sld [smem:$0x3FFC];
	_ =	sdelay $0x3  }
0x94: {  	_ =	strace s2  }
0x95: {  	s2 =	sld [smem:$0x3FFD];
	_ =	sdelay $0x3  }
0x96: {  	_ =	strace s2  }
0x97: {  	_ =	strace $0x8FFFFFFF  }
0x98: {  	s18 =	sld [smem:$0x3FDB];
	_ =	sdelay $0x1  }
0x99: {  	s19 =	simm.s32 $_scs_section_size  }
0x9a: {  	s4 =	simm.s32 $_size__tile_overlayer_lowered;
	s5 =	simm.s32 $_tile_overlayer_lowered  }
0x9b: {  	s22 =	simm.s32 $0x1BFF;
	s21 =	sshll.u32 s5, $0x1;
	s2 =	sadd.s32 s19, s18  }
0x9c: {  	s6 =	simm.s32 $0x0;
	s20 =	sshll.u32 s4, $0x1;
	s4 =	sadd.s32 s21, s2  }
0x9d: {  	[timem:s6], [sflag:s22] =	dma.local [hbm:s4], s20  }
0x9e: {  	_ =	swait.ge [sflag:s22], s20  }
0x9f: {  	s3 =	ssub.s32 $0x0, s20;
	[sflag:s22] =	ssyncset.done $0x0  }
0xa0: {  	[sflag:s22] =	ssyncadd.s32 s3;
	_ =	sdelay $0x1  }
0xa1: {  	s23 =	simm.s32 $0x1B8B  }
0xa2: {  	_ =	swait.ge [sflag:s23], $0x1  }
0xa3: {  	[sflag:s23] =	ssyncset.done $0x0  }
0xa4: {  	s25 =	simm.s32 $0x1B8E;
	s24 =	sld [smem:$0x3FFE];
	[sflag:s23] =	ssyncadd.s32 $0xFFFFFFFF  }
0xa5: {  	s26 =	simm.s32 $execute0_lowered;
	[smem:$0x3FD2] =	sst s25  }
0xa6: {  	s4 =	sshll.u32 s26, $0x1;
	_ =	strace $0x80000046;
	[dreg:$0x1] =	wrdreg $0xFFFFFFFF  }
0xa7: {  	s28 =	simm.s32 $_size_execute0_lowered;
	s2 =	sadd.s32 s2, s4;
	[dreg:$0x0] =	wrdreg $0x0  }
0xa8: {  	s4 =	sshll.u32 s28, $0x1;
	[dreg:$0x2] =	wrdreg s2  }
0xa9: {  	[dreg:$0x3] =	wrdreg s4  }
0xaa: {  	[dreg:$0x4] =	wrdreg $0xC0  }
0xab: {  	_ =	task [dreg:s6], $0x5FFFF  }
0xac: {  	[dreg:$0x1] =	wrdreg $0xFFFFFFFF  }
0xad: {  	[dreg:$0x0] =	wrdreg $0x60  }
0xae: {  	[dreg:$0x2] =	wrdreg s24  }
0xaf: {  	[dreg:$0x3] =	wrdreg $0xF0400  }
0xb0: {  	[dreg:$0x4] =	wrdreg $0x9  }
0xb1: {  	_ =	task.clear_ibuf [dreg:s6], $0x5FFFF;
	_ =	strace $0x90000046  }
0xb2: {  	s29 =	simm.s32 $0x9;
	_ =	strace $0x80000048  }
0xb3: {  	_ =	swait.ge [sflag:s29], $0x1  }
0xb4: {  	[sflag:s29] =	ssyncadd.s32 $0xFFFFFFFF  }
0xb5: {  	_ =	strace $0x90000048  }
0xb6: {  	_ =	sfence  }
0xb7: {  	s30 =	sld [smem:$0x0];
	_ =	sdelay $0x2  }
0xb8: {  	s31 =	sshll.u32 s1, $0xD;
	s1 =	sshrl.u32 s1, $0x2  }
0xb9: {  	s3 =	sand.u32 $0x4000, s31;
	s1 =	sadd.s32 s1, s30  }
0xba: {  	s0 =	sor.u32 s3, s0;
	s1 =	sshll.u32 s1, $0x11  }
0xbb: {  	s0 =	sor.u32 s1, s0  }
0xbc: {  	s0 =	sadd.s32 $0x8F2B, s0  }
0xbd: {  	[sflag:s0] =	ssyncadd.remote.s32 $0x1  }
0xbe: {  	_ =	sfence.sel $0xFFFF  }
0xbf: {  	[dreg:$0x0] =	wrdreg $0xFFFFFFFF;
	(pc) =	sbr.abs _section_cstart, $3  }
0xc0: {  	[dreg:$0x1] =	wrdreg $0xFFFFFFFF  }
0xc1: {  	_ =	task.clear_ibuf [dreg:s6], $0x2FFFF;
	_ =	strace $0x9FFFFFFF  }
0xc2: {  	(tm) =	ssettm $0x7FFFFFFF  }
0xc3: {  	_ =	shalt  }
tec
execute0_lowered:
.L_overlay_start_1:
0x0: {  	(tag) =	ssettag $0x1  }
0x1: {  	s0 =	srdreg.scid;
	s6 =	rddreg [dreg:$0x0]  }
0x2: {  	s2 =	rddreg [dreg:$0x1];
	s3 =	simm.s32 $0x0;
	s14 =	simm.s32 $0xC4C0  }
0x3: {  	s15 =	simm.s32 $0x80;
	s16 =	simm.s32 $0xEEC0;
	s17 =	simm.s32 $0xED40  }
0x4: {  	s18 =	simm.s32 $0xEF40;
	s19 =	simm.s32 $0xEDC0;
	s20 =	simm.s32 $0xEFC0  }
0x5: {  	s21 =	simm.s32 $0xEE40;
	s5 =	sand.u32 $0x1, s0;
	s0 =	stileid.u32  }
0x6: {  	s22 =	simm.s32 $0x0;
	[smem:$0x7FF] =	sst s3;
	s7 =	smul.u32 $0x780, s0  }
0x7: {  	s1 =	sshll.u32 s5, $0x4;
	s8 =	smul.u32 $0x7800, s5;
	s5 =	ssub.s32 $0x2, s5  }
0x8: {  	s31 =	sshll.u32 s0, $0x6;
	s1 =	sor.u32 s0, s1;
	s30 =	sshrl.u32 s5, $0x1  }
0x9: {  	s4 =	smul.u32 $0x510, s1;
	s1 =	rddreg [dreg:$0x2];
	_ =	strace $0x80000047  }
0xa: {  	s8 =	sadd.s32 s7, s8;
	s10 =	sshrl.u32 s7, $0x3;
	s12 =	ssub.s32 s5, s30  }
0xb: {  	s13 =	sadd.s32 s7, s2;
	s8 =	sshrl.u32 s8, $0x3;
	s10 =	sadd.s32 s10, s6  }
0xc: {  	s9 =	sadd.s32 s4, s6;
	s4 =	sadd.s32 $0x1000, s6;
	s11 =	sadd.s32 s8, s6  }
0xd: {  	s5 =	sadd.s32 $0x16800, s10;
	s6 =	sor.u32 $0x1C01, s31;
	s10 =	smax.u32 s12, $0x1  }
0xe: {  	s12 =	simm.s32 $0x1;
	s7 =	sadd.s32 $0xC600, s9;
	s8 =	sadd.s32 $0x2400, s9  }
0xf: {  	s9 =	sadd.s32 $0x17800, s11;
	s11 =	sshrl.u32 s13, $0x3;
	s13 =	simm.s32 $0x9C40  }
.LBB2_1:
0x10: {  	[spmem:s11], [sflag:s6] =	dma.local [hbm:s5], $0xF0  }
0x11: {  	_ =	swait.ge [sflag:s12], $0xF0  }
0x12: {  	[sflag:s12] =	ssyncset.done $0x0  }
0x13: {  	[sflag:s12] =	ssyncadd.s32 $0xFFFFFF10  }
0x14: {  	[tilespmem:s3], [sflag:$0x1] =	stream.linear.gather [hbm4b:s4+s3], $0x9C40, $0x38;
	[tilespmem:$0xF7C0] =	vst v63  }
0x15: {  	_ =	swait.ge [sflag:s12], $0x9C40  }
0x16: {  	[sflag:s12] =	ssyncset.done $0x0  }
0x17: {  	[sflag:s12] =	ssyncadd.s32 $0xFFFF63C0  }
0x18: {  	[tilespmem:s13], [sflag:$0x1] =	stream.linear.gather [hbm4b:s7+s3], $0x2880, $0x38;
	[tilespmem:$0xF7C0] =	vst v63  }
0x19: {  	_ =	swait.ge [sflag:s12], $0x2880  }
0x1a: {  	[sflag:s12] =	ssyncset.done $0x0  }
0x1b: {  	[sflag:s12] =	ssyncadd.s32 $0xFFFFD780  }
0x1c: {  	[tilespmem:s14], [sflag:$0x1] =	stream.linear.gather [hbm4b:s8+s3], $0x2880, $0x38;
	[tilespmem:$0xF7C0] =	vst v63  }
0x1d: {  	_ =	swait.ge [sflag:s12], $0x2880  }
0x1e: {  	[sflag:s12] =	ssyncset.done $0x0  }
0x1f: {  	[sflag:s12] =	ssyncadd.s32 $0xFFFFD780  }
0x20: {  	s23 =	simm.s32 $0x0;
	[bflag:$0x0] =	sbarrier.arrive $0xFFFF  }
.LBB2_2:
0x21: {  	s24 =	sshra.s32 s23, $0x2  }
0x22: {  	v0 =	vld [tilespmem:s24+$0x9C40]  }
0x23: {  	v1 =	vld [tilespmem:s24+$0xC4C0];
	_ =	sdelay $0x3  }
0x24: {  	v0 =	vshll.u32 v0, $0x2  }
0x25: {  	v3 =	vshll.u32 v1, $0x2;
	v2 =	vor.u32 $0x2, v0  }
0x26: {  	v3 =	vor.u32 $0x3, v3;
	_ =	sdelay $0x3  }
0x27: {  	v2 =	vld.idx.msk [tilespmem:v2+s3+$0x0], $0xffff  }
0x28: {  	v3 =	vld.idx.msk [tilespmem:v3+s3+$0x0], $0xffff;
	_ =	sdelay $0x4  }
0x29: {  	v2 =	vadd.f32 v3, v2;
	_ =	sdelay $0x1  }
0x2a: {  	v3 =	vmul.f32 $2.000000030e-01, v2;
	_ =	sdelay $0x1  }
0x2b: {  	v2 =	vmax.f32 v2, v3  }
0x2c: {  	v2 =	vmul.f32 $1.442695020e+00, v2;
	_ =	sdelay $0x1  }
0x2d: {  	(erf) = vpow2.f32 v2  }
0x2e: {  	v11 =	vor.u32 $0x1, v0;
	_ =	sdelay $0x3  }
0x2f: {  	v0 =	vld.idx.msk [tilespmem:v0+s3+$0x0], $0xffff  }
0x30: {  	v2 =	vld.idx.msk [tilespmem:v11+s3+$0x0], $0xffff;
	_ =	sdelay $0x1  }
0x31: {  	v13 =	vadd.s32 $0x2800, v1;
	[tilespmem:$0xEEC0] =	vst v1  }
0x32: {  	v14 =	vadd.s32 $0x5000, v1;
	[tilespmem:$0xEF40] =	vst v13;
	v12 =	vpop (erf)  }
0x33: {  	[tilespmem:$0xEFC0] =	vst v14;
	v0 =	vmul.f32 v12, v0  }
0x34: {  	[tilespmem:$0xED40] =	vst v12;
	v2 =	vmul.f32 v12, v2  }
0x35: {  	[tilespmem:$0xEDC0] =	vst v0  }
0x36: {  	[tilespmem:$0xEE40] =	vst v2  }
0x37: {  	v0 =	vld [tilespmem:s24+$0x9C50]  }
0x38: {  	v15 =	vld [tilespmem:s24+$0xC4D0];
	_ =	sdelay $0x3  }
0x39: {  	v0 =	vshll.u32 v0, $0x2  }
0x3a: {  	v17 =	vshll.u32 v15, $0x2;
	v16 =	vor.u32 $0x2, v0  }
0x3b: {  	v3 =	vor.u32 $0x3, v17;
	_ =	sdelay $0x3  }
0x3c: {  	v2 =	vld.idx.msk [tilespmem:v16+s3+$0x0], $0xffff  }
0x3d: {  	v3 =	vld.idx.msk [tilespmem:v3+s3+$0x0], $0xffff;
	_ =	sdelay $0x4  }
0x3e: {  	v2 =	vadd.f32 v3, v2;
	_ =	sdelay $0x1  }
0x3f: {  	v3 =	vmul.f32 $2.000000030e-01, v2;
	_ =	sdelay $0x1  }
0x40: {  	v2 =	vmax.f32 v2, v3  }
0x41: {  	v2 =	vmul.f32 $1.442695020e+00, v2;
	_ =	sdelay $0x1  }
0x42: {  	(erf) = vpow2.f32 v2  }
0x43: {  	v18 =	vor.u32 $0x1, v0;
	_ =	sdelay $0x3  }
0x44: {  	v0 =	vld.idx.msk [tilespmem:v0+s3+$0x0], $0xffff  }
0x45: {  	v2 =	vld.idx.msk [tilespmem:v18+s3+$0x0], $0xffff;
	_ =	sdelay $0x1  }
0x46: {  	v20 =	vadd.s32 $0x2800, v15;
	[tilespmem:$0xEED0] =	vst v15  }
0x47: {  	v21 =	vadd.s32 $0x5000, v15;
	[tilespmem:$0xEF50] =	vst v20;
	v19 =	vpop (erf)  }
0x48: {  	[tilespmem:$0xEFD0] =	vst v21;
	v0 =	vmul.f32 v19, v0  }
0x49: {  	[tilespmem:$0xED50] =	vst v19;
	v2 =	vmul.f32 v19, v2  }
0x4a: {  	[tilespmem:$0xEDD0] =	vst v0  }
0x4b: {  	[tilespmem:$0xEE50] =	vst v2  }
0x4c: {  	v0 =	vld [tilespmem:s24+$0x9C60]  }
0x4d: {  	v22 =	vld [tilespmem:s24+$0xC4E0];
	_ =	sdelay $0x3  }
0x4e: {  	v0 =	vshll.u32 v0, $0x2  }
0x4f: {  	v24 =	vshll.u32 v22, $0x2;
	v23 =	vor.u32 $0x2, v0  }
0x50: {  	v3 =	vor.u32 $0x3, v24;
	_ =	sdelay $0x3  }
0x51: {  	v2 =	vld.idx.msk [tilespmem:v23+s3+$0x0], $0xffff  }
0x52: {  	v3 =	vld.idx.msk [tilespmem:v3+s3+$0x0], $0xffff;
	_ =	sdelay $0x4  }
0x53: {  	v2 =	vadd.f32 v3, v2;
	_ =	sdelay $0x1  }
0x54: {  	v3 =	vmul.f32 $2.000000030e-01, v2;
	_ =	sdelay $0x1  }
0x55: {  	v2 =	vmax.f32 v2, v3  }
0x56: {  	v2 =	vmul.f32 $1.442695020e+00, v2;
	_ =	sdelay $0x1  }
0x57: {  	(erf) = vpow2.f32 v2  }
0x58: {  	v25 =	vor.u32 $0x1, v0;
	_ =	sdelay $0x3  }
0x59: {  	v0 =	vld.idx.msk [tilespmem:v0+s3+$0x0], $0xffff  }
0x5a: {  	v2 =	vld.idx.msk [tilespmem:v25+s3+$0x0], $0xffff;
	_ =	sdelay $0x1  }
0x5b: {  	v27 =	vadd.s32 $0x2800, v22;
	[tilespmem:$0xEEE0] =	vst v22  }
0x5c: {  	v28 =	vadd.s32 $0x5000, v22;
	[tilespmem:$0xEF60] =	vst v27;
	v26 =	vpop (erf)  }
0x5d: {  	[tilespmem:$0xEFE0] =	vst v28;
	v0 =	vmul.f32 v26, v0  }
0x5e: {  	[tilespmem:$0xED60] =	vst v26;
	v2 =	vmul.f32 v26, v2  }
0x5f: {  	[tilespmem:$0xEDE0] =	vst v0  }
0x60: {  	[tilespmem:$0xEE60] =	vst v2  }
0x61: {  	v0 =	vld [tilespmem:s24+$0x9C70]  }
0x62: {  	v29 =	vld [tilespmem:s24+$0xC4F0];
	_ =	sdelay $0x3  }
0x63: {  	v0 =	vshll.u32 v0, $0x2  }
0x64: {  	v31 =	vshll.u32 v29, $0x2;
	v30 =	vor.u32 $0x2, v0  }
0x65: {  	v3 =	vor.u32 $0x3, v31;
	_ =	sdelay $0x3  }
0x66: {  	v2 =	vld.idx.msk [tilespmem:v30+s3+$0x0], $0xffff  }
0x67: {  	v3 =	vld.idx.msk [tilespmem:v3+s3+$0x0], $0xffff;
	_ =	sdelay $0x4  }
0x68: {  	v2 =	vadd.f32 v3, v2;
	_ =	sdelay $0x1  }
0x69: {  	v3 =	vmul.f32 $2.000000030e-01, v2;
	_ =	sdelay $0x1  }
0x6a: {  	v2 =	vmax.f32 v2, v3  }
0x6b: {  	v2 =	vmul.f32 $1.442695020e+00, v2;
	_ =	sdelay $0x1  }
0x6c: {  	(erf) = vpow2.f32 v2  }
0x6d: {  	v32 =	vor.u32 $0x1, v0;
	_ =	sdelay $0x3  }
0x6e: {  	v0 =	vld.idx.msk [tilespmem:v0+s3+$0x0], $0xffff  }
0x6f: {  	v2 =	vld.idx.msk [tilespmem:v32+s3+$0x0], $0xffff;
	_ =	sdelay $0x1  }
0x70: {  	v34 =	vadd.s32 $0x2800, v29;
	[tilespmem:$0xEEF0] =	vst v29  }
0x71: {  	v35 =	vadd.s32 $0x5000, v29;
	[tilespmem:$0xEF70] =	vst v34;
	v33 =	vpop (erf)  }
0x72: {  	[tilespmem:$0xEFF0] =	vst v35;
	v0 =	vmul.f32 v33, v0  }
0x73: {  	[tilespmem:$0xED70] =	vst v33;
	v2 =	vmul.f32 v33, v2  }
0x74: {  	[tilespmem:$0xEDF0] =	vst v0  }
0x75: {  	[tilespmem:$0xEE70] =	vst v2  }
0x76: {  	v0 =	vld [tilespmem:s24+$0x9C80]  }
0x77: {  	v36 =	vld [tilespmem:s24+$0xC500];
	_ =	sdelay $0x3  }
0x78: {  	v0 =	vshll.u32 v0, $0x2  }
0x79: {  	v38 =	vshll.u32 v36, $0x2;
	v37 =	vor.u32 $0x2, v0  }
0x7a: {  	v3 =	vor.u32 $0x3, v38;
	_ =	sdelay $0x3  }
0x7b: {  	v2 =	vld.idx.msk [tilespmem:v37+s3+$0x0], $0xffff  }
0x7c: {  	v3 =	vld.idx.msk [tilespmem:v3+s3+$0x0], $0xffff;
	_ =	sdelay $0x4  }
0x7d: {  	v2 =	vadd.f32 v3, v2;
	_ =	sdelay $0x1  }
0x7e: {  	v3 =	vmul.f32 $2.000000030e-01, v2;
	_ =	sdelay $0x1  }
0x7f: {  	v2 =	vmax.f32 v2, v3  }
0x80: {  	v2 =	vmul.f32 $1.442695020e+00, v2;
	_ =	sdelay $0x1  }
0x81: {  	(erf) = vpow2.f32 v2  }
0x82: {  	v39 =	vor.u32 $0x1, v0;
	_ =	sdelay $0x3  }
0x83: {  	v0 =	vld.idx.msk [tilespmem:v0+s3+$0x0], $0xffff  }
0x84: {  	v2 =	vld.idx.msk [tilespmem:v39+s3+$0x0], $0xffff;
	_ =	sdelay $0x1  }
0x85: {  	v41 =	vadd.s32 $0x2800, v36;
	[tilespmem:$0xEF00] =	vst v36  }
0x86: {  	v42 =	vadd.s32 $0x5000, v36;
	[tilespmem:$0xEF80] =	vst v41;
	v40 =	vpop (erf)  }
0x87: {  	[tilespmem:$0xF000] =	vst v42;
	v0 =	vmul.f32 v40, v0  }
0x88: {  	[tilespmem:$0xED80] =	vst v40;
	v2 =	vmul.f32 v40, v2  }
0x89: {  	[tilespmem:$0xEE00] =	vst v0  }
0x8a: {  	[tilespmem:$0xEE80] =	vst v2  }
0x8b: {  	v0 =	vld [tilespmem:s24+$0x9C90]  }
0x8c: {  	v43 =	vld [tilespmem:s24+$0xC510];
	_ =	sdelay $0x3  }
0x8d: {  	v0 =	vshll.u32 v0, $0x2  }
0x8e: {  	v45 =	vshll.u32 v43, $0x2;
	v44 =	vor.u32 $0x2, v0  }
0x8f: {  	v3 =	vor.u32 $0x3, v45;
	_ =	sdelay $0x3  }
0x90: {  	v2 =	vld.idx.msk [tilespmem:v44+s3+$0x0], $0xffff  }
0x91: {  	v3 =	vld.idx.msk [tilespmem:v3+s3+$0x0], $0xffff;
	_ =	sdelay $0x4  }
0x92: {  	v2 =	vadd.f32 v3, v2;
	_ =	sdelay $0x1  }
0x93: {  	v3 =	vmul.f32 $2.000000030e-01, v2;
	_ =	sdelay $0x1  }
0x94: {  	v2 =	vmax.f32 v2, v3  }
0x95: {  	v2 =	vmul.f32 $1.442695020e+00, v2;
	_ =	sdelay $0x1  }
0x96: {  	(erf) = vpow2.f32 v2  }
0x97: {  	v46 =	vor.u32 $0x1, v0;
	_ =	sdelay $0x3  }
0x98: {  	v0 =	vld.idx.msk [tilespmem:v0+s3+$0x0], $0xffff  }
0x99: {  	v2 =	vld.idx.msk [tilespmem:v46+s3+$0x0], $0xffff;
	_ =	sdelay $0x1  }
0x9a: {  	v48 =	vadd.s32 $0x2800, v43;
	[tilespmem:$0xEF10] =	vst v43  }
0x9b: {  	v49 =	vadd.s32 $0x5000, v43;
	[tilespmem:$0xEF90] =	vst v48;
	v47 =	vpop (erf)  }
0x9c: {  	[tilespmem:$0xF010] =	vst v49;
	v0 =	vmul.f32 v47, v0  }
0x9d: {  	[tilespmem:$0xED90] =	vst v47;
	v2 =	vmul.f32 v47, v2  }
0x9e: {  	[tilespmem:$0xEE10] =	vst v0  }
0x9f: {  	[tilespmem:$0xEE90] =	vst v2  }
0xa0: {  	v0 =	vld [tilespmem:s24+$0x9CA0]  }
0xa1: {  	v50 =	vld [tilespmem:s24+$0xC520];
	_ =	sdelay $0x3  }
0xa2: {  	v0 =	vshll.u32 v0, $0x2  }
0xa3: {  	v52 =	vshll.u32 v50, $0x2;
	v51 =	vor.u32 $0x2, v0  }
0xa4: {  	v3 =	vor.u32 $0x3, v52;
	_ =	sdelay $0x3  }
0xa5: {  	v2 =	vld.idx.msk [tilespmem:v51+s3+$0x0], $0xffff  }
0xa6: {  	v3 =	vld.idx.msk [tilespmem:v3+s3+$0x0], $0xffff;
	_ =	sdelay $0x4  }
0xa7: {  	v2 =	vadd.f32 v3, v2;
	_ =	sdelay $0x1  }
0xa8: {  	v3 =	vmul.f32 $2.000000030e-01, v2;
	_ =	sdelay $0x1  }
0xa9: {  	v2 =	vmax.f32 v2, v3  }
0xaa: {  	v2 =	vmul.f32 $1.442695020e+00, v2;
	_ =	sdelay $0x1  }
0xab: {  	(erf) = vpow2.f32 v2  }
0xac: {  	v53 =	vor.u32 $0x1, v0;
	_ =	sdelay $0x3  }
0xad: {  	v0 =	vld.idx.msk [tilespmem:v0+s3+$0x0], $0xffff  }
0xae: {  	v2 =	vld.idx.msk [tilespmem:v53+s3+$0x0], $0xffff;
	_ =	sdelay $0x1  }
0xaf: {  	v55 =	vadd.s32 $0x2800, v50;
	[tilespmem:$0xEF20] =	vst v50  }
0xb0: {  	v56 =	vadd.s32 $0x5000, v50;
	[tilespmem:$0xEFA0] =	vst v55;
	v54 =	vpop (erf)  }
0xb1: {  	[tilespmem:$0xF020] =	vst v56;
	v0 =	vmul.f32 v54, v0  }
0xb2: {  	[tilespmem:$0xEDA0] =	vst v54;
	v2 =	vmul.f32 v54, v2  }
0xb3: {  	[tilespmem:$0xEE20] =	vst v0  }
0xb4: {  	[tilespmem:$0xEEA0] =	vst v2  }
0xb5: {  	v0 =	vld [tilespmem:s24+$0x9CB0]  }
0xb6: {  	v57 =	vld [tilespmem:s24+$0xC530];
	_ =	sdelay $0x3  }
0xb7: {  	v0 =	vshll.u32 v0, $0x2  }
0xb8: {  	v59 =	vshll.u32 v57, $0x2;
	v58 =	vor.u32 $0x2, v0  }
0xb9: {  	v3 =	vor.u32 $0x3, v59;
	_ =	sdelay $0x3  }
0xba: {  	v2 =	vld.idx.msk [tilespmem:v58+s3+$0x0], $0xffff  }
0xbb: {  	v3 =	vld.idx.msk [tilespmem:v3+s3+$0x0], $0xffff;
	_ =	sdelay $0x4  }
0xbc: {  	v2 =	vadd.f32 v3, v2;
	_ =	sdelay $0x1  }
0xbd: {  	v3 =	vmul.f32 $2.000000030e-01, v2;
	_ =	sdelay $0x1  }
0xbe: {  	v2 =	vmax.f32 v2, v3  }
0xbf: {  	v2 =	vmul.f32 $1.442695020e+00, v2;
	_ =	sdelay $0x1  }
0xc0: {  	(erf) = vpow2.f32 v2  }
0xc1: {  	v60 =	vor.u32 $0x1, v0;
	_ =	sdelay $0x3  }
0xc2: {  	v0 =	vld.idx.msk [tilespmem:v0+s3+$0x0], $0xffff  }
0xc3: {  	v2 =	vld.idx.msk [tilespmem:v60+s3+$0x0], $0xffff;
	_ =	sdelay $0x1  }
0xc4: {  	v62 =	vadd.s32 $0x2800, v57;
	[tilespmem:$0xEF30] =	vst v57  }
0xc5: {  	v63 =	vadd.s32 $0x5000, v57;
	[tilespmem:$0xEFB0] =	vst v62;
	v61 =	vpop (erf)  }
0xc6: {  	[tilespmem:$0xF030] =	vst v63;
	v0 =	vmul.f32 v61, v0  }
0xc7: {  	[tilespmem:$0xEDB0] =	vst v61;
	v2 =	vmul.f32 v61, v2  }
0xc8: {  	[tilespmem:$0xEE30] =	vst v0  }
0xc9: {  	[tilespmem:$0xEEB0] =	vst v2  }
0xca: {  	[spmem:s2] =	stream.indirect.scatter.add.f32 [tilespmem:s17], [sflag:$0x1], $0x1, s16, s15, $0xb8;
	[tilespmem:$0xF7C0] =	vst v63  }
0xcb: {  	_ =	swait.ge [sflag:s12], $0x80  }
0xcc: {  	[sflag:s12] =	ssyncset.done $0x0  }
0xcd: {  	[sflag:s12] =	ssyncadd.s32 $0xFFFFFF80  }
0xce: {  	[spmem:s2] =	stream.indirect.scatter.add.f32 [tilespmem:s19], [sflag:$0x1], $0x1, s18, s15, $0xb8;
	[tilespmem:$0xF7C0] =	vst v63  }
0xcf: {  	_ =	swait.ge [sflag:s12], $0x80  }
0xd0: {  	p0 =	sne.s32 s23, $0xA000;
	[sflag:s12] =	ssyncset.done $0x0  }
.Ltmp0:
0xd1: {  	[sflag:s12] =	ssyncadd.s32 $0xFFFFFF80;
	(pc) =	sbr.rel @p0 .LBB2_2-.Ltmp0, $4  }
0xd2: {  	[spmem:s2] =	stream.indirect.scatter.add.f32 [tilespmem:s21], [sflag:$0x1], $0x1, s20, s15, $0xb8;
	[tilespmem:$0xF7C0] =	vst v63  }
0xd3: {  	_ =	swait.ge [sflag:s12], $0x80  }
0xd4: {  	[sflag:s12] =	ssyncset.done $0x0  }
0xd5: {  	s23 =	sadd.s32 $0x200, s23;
	[sflag:s12] =	ssyncadd.s32 $0xFFFFFF80  }
0xd6: {  	s22 =	sadd.s32 $0x1, s22  }
0xd7: {  	p0 =	sne.s32 s22, s10  }
.Ltmp1:
0xd8: {  	[bflag:$0x0] =	sbarrier.arrive $0xFFFF;
	(pc) =	sbr.rel @p0 .LBB2_1-.Ltmp1, $4  }
0xd9: {  	[hbm:s9], [sflag:s6] =	dma.local [spmem:s11], $0xF0  }
0xda: {  	_ =	swait.ge [sflag:s12], $0xF0  }
0xdb: {  	[sflag:s12] =	ssyncset.done $0x0  }
0xdc: {  	[sflag:s12] =	ssyncadd.s32 $0xFFFFFF10  }
0xdd: {  	_ =	sfence.sel $0x180000  }
0xde: {  	[bflag:$0x0] =	sbarrier.arrive $0xFFFF  }
0xdf: {  	p0 =	sne.s32 s0, $0x0;
	_ =	strace $0x90000047  }
0xe0: {  	s0 =	sadd.s32 @!p0 $0x100000, s1;
	[bflag:$0x2] =	sbarrier.arrive $0xFFFF  }
0xe1: {  	[sflag:s0] =	ssyncadd.tile.s32 @!p0 $0x1;
	_ =	shalt  }
.Lfunc_end2:
_tile_overlayer_lowered:
.L_overlay_start_2:
0xe2: {  	(tag) =	ssettag $0x2  }
0xe3: {  	s0 =	rddreg [dreg:$0x0];
	s2 =	stileid.u32  }
0xe4: {  	s1 =	rddreg [dreg:$0x1];
	p0 =	sne.s32 s2, $0x0  }
0xe5: {  	s3 =	rddreg [dreg:$0x2];
	[bflag:$0x3] =	sbarrier.arrive $0xFFFF;
	s2 =	simm.s32 @!p0 $0x1C01  }
0xe6: {  	[timem:s3], [sflag:s2] =	dma.local @!p0 [hbm:s0], s1  }
0xe7: {  	s0 =	simm.s32 @!p0 $0x1  }
0xe8: {  	_ =	swait.ge @!p0 [sflag:s0], s1  }
0xe9: {  	s1 =	ssub.s32 @!p0 $0x0, s1;
	[sflag:s0] =	ssyncset.done @!p0 $0x0  }
0xea: {  	[sflag:s0] =	ssyncadd.s32 @!p0 s1  }
0xeb: {  	[bflag:$0x3] =	sbarrier.arrive $0xFFFF  }
0xec: {  	_ =	shalt  }

</sc_bundles>
